<compile_context>
chip_gen: v7x
topology: tpu7x:2x2x1
jax: 0.10.2.dev20260603
libtpu: 0.0.44.dev20260713+nightly
codegen_flags: <defaults>
</compile_context>

<pallas_src>
import functools
import math

import jax
import jax.numpy as jnp
from jax import lax
from jax.experimental import pallas as pl
from jax.experimental.pallas import tpu as pltpu
from jax.experimental.pallas import tpu_sc as plsc

N = 10000
M = 32
ATOM = 128
NBR = 16
TILES = 32
CHUNK = 128
R_BLK = 80
EROWS = M * R_BLK
CH = EROWS // TILES
NPAD = N + 16


KB = 4


def _edge_scalar_body(x_ref, w1_ref, b1_ref, w2_ref, b2_ref, idx_ref,
                      o_ref, oidx_ref):
    w2c = w2_ref[...][:, 0]
    pad = jnp.zeros((R_BLK * CHUNK - N,), jnp.float32)
    ipad = N + lax.rem(
        lax.broadcasted_iota(jnp.int32, (R_BLK * CHUNK - N,), 0),
        jnp.int32(NPAD - N))
    s_parts, i_parts = [], []
    for kk in range(KB):
        x = x_ref[kk]
        zt = lax.dot_general(w1_ref[...], x, (((0,), (0,)), ((), ())),
                             preferred_element_type=jnp.float32)
        zt = zt + b1_ref[...][:, None]
        sp = jnp.maximum(zt, 0.0) + jnp.log(1.0 + jnp.exp(-jnp.abs(zt)))
        st = lax.dot_general(w2c.reshape(NBR, 1), sp,
                             (((0,), (0,)), ((), ())),
                             preferred_element_type=jnp.float32)
        s = st[0] + b2_ref[0]
        s_parts += [s, pad]
        i_parts += [idx_ref[kk, 0, :], ipad]
    o_ref[...] = jnp.concatenate(s_parts).reshape(KB * R_BLK, CHUNK)
    oidx_ref[...] = jnp.concatenate(i_parts).reshape(KB * R_BLK, CHUNK)


def _edge_scalars(nbr_t, W1, b1, W2, b2, idx_t):
    return pl.pallas_call(
        _edge_scalar_body,
        grid=(M // KB,),
        in_specs=[
            pl.BlockSpec((KB, NBR, N), lambda w: (w, 0, 0)),
            pl.BlockSpec((NBR, NBR), lambda w: (0, 0)),
            pl.BlockSpec((NBR,), lambda w: (0,)),
            pl.BlockSpec((NBR, 9), lambda w: (0, 0)),
            pl.BlockSpec((9,), lambda w: (0,)),
            pl.BlockSpec((KB, 1, N), lambda w: (w, 0, 0)),
        ],
        out_specs=[
            pl.BlockSpec((KB * R_BLK, CHUNK), lambda w: (w, 0)),
            pl.BlockSpec((KB * R_BLK, CHUNK), lambda w: (w, 0)),
        ],
        out_shape=[
            jax.ShapeDtypeStruct((EROWS, CHUNK), jnp.float32),
            jax.ShapeDtypeStruct((EROWS, CHUNK), jnp.int32),
        ],
    )(nbr_t, W1, b1, W2, b2, idx_t)


def _segment_body(idx_hbm, s_hbm, z_hbm, sp_hbm, cp_hbm,
                  idx_v, s_v, ones_v, acc_s, acc_c, sem):
    c = lax.axis_index("c")
    s = lax.axis_index("s")
    w = c * 16 + s

    pltpu.sync_copy(idx_hbm.at[pl.ds(w * CH, CH)], idx_v)
    pltpu.sync_copy(s_hbm.at[pl.ds(w * CH, CH)], s_v)
    for i in range(CHUNK // 16):
        ones_v[pl.ds(i * 16, 16)] = jnp.full((16,), 1.0, jnp.float32)

    @pl.when(s == 0)
    def _zero():
        pltpu.sync_copy(z_hbm, acc_s)
        pltpu.sync_copy(z_hbm, acc_c)

    plsc.subcore_barrier()

    GRP = 8

    def body(g, carry):
        copies = []
        for b in range(GRP):
            j = g * GRP + b
            copies.append(pltpu.async_copy(
                s_v.at[j], acc_s.at[idx_v.at[j]], sem, add=True))
            copies.append(pltpu.async_copy(
                ones_v, acc_c.at[idx_v.at[j]], sem, add=True))
        for cp in copies:
            cp.wait()
        return carry

    lax.fori_loop(0, CH // GRP, body, 0)

    plsc.subcore_barrier()

    @pl.when(s == 0)
    def _out():
        pltpu.sync_copy(acc_s, sp_hbm.at[c])
        pltpu.sync_copy(acc_c, cp_hbm.at[c])


def _segment_sums(idxp, s_pad, zeros_np):
    mesh = plsc.VectorSubcoreMesh(core_axis_name="c", subcore_axis_name="s")
    f = functools.partial(
        pl.kernel,
        mesh=mesh,
        out_type=[
            jax.ShapeDtypeStruct((2, NPAD), jnp.float32),
            jax.ShapeDtypeStruct((2, NPAD), jnp.float32),
        ],
        scratch_types=[
            pltpu.VMEM((CH, CHUNK), jnp.int32),
            pltpu.VMEM((CH, CHUNK), jnp.float32),
            pltpu.VMEM((CHUNK,), jnp.float32),
            pltpu.VMEM_SHARED((NPAD,), jnp.float32),
            pltpu.VMEM_SHARED((NPAD,), jnp.float32),
            pltpu.SemaphoreType.DMA,
        ],
    )(_segment_body)
    return f(idxp, s_pad, zeros_np)


def _scale_matmul_body(a_ref, w_ref, sp_ref, cp_ref, o_ref):
    S = sp_ref[0, :] + sp_ref[1, :]
    C = cp_ref[0, :] + cp_ref[1, :]
    scale = S / jnp.maximum(C, 1.0) * (1.0 / math.sqrt(float(ATOM)))
    acc = jnp.dot(a_ref[...], w_ref[...], preferred_element_type=jnp.float32)
    o_ref[...] = acc * scale[:, None]


def _scale_matmul(atom_fea, tp_w, Sp, Cp):
    B = 1024
    grid = (N + B - 1) // B
    return pl.pallas_call(
        _scale_matmul_body,
        grid=(grid,),
        in_specs=[
            pl.BlockSpec((B, ATOM), lambda g: (g, 0)),
            pl.BlockSpec((ATOM, ATOM), lambda g: (0, 0)),
            pl.BlockSpec((2, B), lambda g: (0, g)),
            pl.BlockSpec((2, B), lambda g: (0, g)),
        ],
        out_specs=pl.BlockSpec((B, ATOM), lambda g: (g, 0)),
        out_shape=jax.ShapeDtypeStruct((N, ATOM), jnp.float32),
    )(atom_fea, tp_w, Sp, Cp)


def kernel(atom_fea, nbr_fea, nbr_idx, pos, W1, b1, W2, b2, tp_w):
    nbr_t = jnp.transpose(nbr_fea, (1, 2, 0))
    idx_t = jnp.transpose(nbr_idx, (1, 0)).reshape(M, 1, N).astype(jnp.int32)
    s_pad, idxp = _edge_scalars(nbr_t, W1, b1, W2, b2, idx_t)

    zeros_np = jnp.zeros((NPAD,), jnp.float32)
    Sp, Cp = _segment_sums(idxp, s_pad, zeros_np)
    return _scale_matmul(atom_fea, tp_w, Sp, Cp)

# --- scband reference (transcript-rebuilt; emitter-appended) ---
"""Pipeline reference for scband-e3-conv-layer-17806934409755 (READ-ONLY COPY).

The authoritative reference and input builder live on the scoring server;
editing this copy changes nothing except your own understanding.
"""

import jax, jax.numpy as jnp
import numpy as np

N = 10000
M = 32
ATOM = 128  # atom_fea_len -> irreps_in = 128x0e
NBR = 16    # nbr_fea_len
SH_DIM = 9  # lmax=2 -> 1x0e + 1x1o + 1x2e = 1+3+5


def _spherical_harmonics_l2(vec):
    # e3nn-style real spherical harmonics up to l=2, component normalization,
    # normalize=True (inputs normalized to unit vectors).
    n2 = jnp.sum(vec * vec, axis=-1, keepdims=True)
    u = vec / jnp.sqrt(n2 + 1e-12)
    x, y, z = u[..., 0], u[..., 1], u[..., 2]
    sh0 = jnp.ones_like(x)
    c1 = jnp.sqrt(3.0)
    sh1_0, sh1_1, sh1_2 = c1 * x, c1 * y, c1 * z
    s15 = jnp.sqrt(15.0)
    s5 = jnp.sqrt(5.0)
    sh2_0 = s15 * x * z
    sh2_1 = s15 * x * y
    sh2_2 = s5 * (y * y - 0.5 * (x * x + z * z))
    sh2_3 = s15 * y * z
    sh2_4 = 0.5 * s15 * (z * z - x * x)
    return jnp.stack([sh0, sh1_0, sh1_1, sh1_2, sh2_0, sh2_1, sh2_2, sh2_3, sh2_4], axis=-1)


def setup_inputs(seed: int = 0) -> dict:
    key = jax.random.key(seed)
    ks = jax.random.split(key, 9)
    atom_fea = jax.random.normal(ks[0], (N, ATOM), dtype=jnp.float32)
    nbr_fea = jax.random.uniform(ks[1], (N, M, NBR), dtype=jnp.float32)
    nbr_idx = jax.random.randint(ks[2], (N, M), 0, N, dtype=jnp.int64 if jax.config.jax_enable_x64 else jnp.int32)
    pos = jax.random.normal(ks[3], (N, 3), dtype=jnp.float32)
    # radial MLP params: Linear(NBR,NBR) -> Softplus -> Linear(NBR,SH_DIM)
    W1 = jax.random.normal(ks[4], (NBR, NBR), dtype=jnp.float32) * (1.0 / np.sqrt(NBR))
    b1 = jnp.zeros((NBR,), dtype=jnp.float32)
    W2 = jax.random.normal(ks[5], (NBR, SH_DIM), dtype=jnp.float32) * (1.0 / np.sqrt(NBR))
    b2 = jnp.zeros((SH_DIM,), dtype=jnp.float32)
    # FullyConnectedTensorProduct(128x0e, 1x0e+1x1o+1x2e -> 128x0e):
    # only the 0e (x) 0e -> 0e path exists; weights [mul1=128, mul2=1, mul_out=128]
    tp_w = jax.random.normal(ks[6], (ATOM, ATOM), dtype=jnp.float32)
    return {"atom_fea": atom_fea, "nbr_fea": nbr_fea, "nbr_idx": nbr_idx, "pos": pos,
            "W1": W1, "b1": b1, "W2": W2, "b2": b2, "tp_w": tp_w}


def reference(atom_fea, nbr_fea, nbr_idx, pos, W1, b1, W2, b2, tp_w):
    n, m, _ = nbr_fea.shape
    flat_idx = nbr_idx.reshape(-1)                      # [N*M]
    neigh = jnp.take(atom_fea, flat_idx, axis=0)        # gather [N*M, ATOM]
    radial = nbr_fea.reshape(n * m, -1)                 # [N*M, NBR]
    idx_center = jnp.repeat(jnp.arange(n), m)           # [N*M]
    rel_vec = jnp.take(pos, flat_idx, axis=0) - jnp.take(pos, idx_center, axis=0)
    Y = _spherical_harmonics_l2(rel_vec)                # [N*M, 9]
    h = jax.nn.softplus(radial @ W1 + b1)
    R = h @ W2 + b2                                     # [N*M, 9]
    Wmix = Y * R                                        # [N*M, 9]
    # tensor product: only scalar (l=0) channel of Wmix couples to 0e output;
    # path normalization 1/sqrt(fan_in) with fan_in = mul1*mul2 = ATOM
    msg = (neigh @ tp_w) * Wmix[:, :1] / jnp.sqrt(float(ATOM))  # [N*M, ATOM]
    idx_i = flat_idx
    summed = jax.ops.segment_sum(msg, idx_i, num_segments=n)
    cnt = jax.ops.segment_sum(jnp.ones((n * m,), dtype=msg.dtype), idx_i, num_segments=n)
    out = summed / jnp.maximum(cnt, 1.0)[:, None]       # scatter-mean
    return out * 1.0  # scale = 1.0 ** 0.5

if __name__ == "__main__":
    import jax
    _d = setup_inputs()
    print(jax.jit(kernel)(*tuple(_d.values())))

</pallas_src>

<mosaic_0001>
#map = affine_map<(d0, d1) -> (0, 0)>
#map1 = affine_map<(d0, d1) -> (0)>
module attributes {stable_mosaic.version = 14 : i64} {
  func.func @_segment_body(%arg0: i32, %arg1: i32, %arg2: memref<2560x128xi32, #tpu.memory_space<hbm>>, %arg3: memref<2560x128xf32, #tpu.memory_space<hbm>>, %arg4: memref<10016xf32, #tpu.memory_space<hbm>>, %arg5: memref<2x10016xf32, #tpu.memory_space<hbm>>, %arg6: memref<2x10016xf32, #tpu.memory_space<hbm>>, %arg7: memref<80x128xi32, #tpu.memory_space<vmem>>, %arg8: memref<80x128xf32, #tpu.memory_space<vmem>>, %arg9: memref<128xf32, #tpu.memory_space<vmem>>, %arg10: memref<10016xf32, #tpu.memory_space<vmem_shared>>, %arg11: memref<10016xf32, #tpu.memory_space<vmem_shared>>, %arg12: memref<!tpu.dma_semaphore, #tpu.memory_space<semaphore_mem>>) attributes {dimension_semantics = [#tpu.dimension_semantics<core_parallel>, #tpu.dimension_semantics<subcore_parallel>], iteration_bounds = array<i64: 2, 16>, scalar_prefetch = 0 : i64, scratch_operands = 6 : i64, tpu.core_type = #tpu.core_type<sc_vector_subcore>, window_params = [{transform_indices = #map}, {transform_indices = #map}, {transform_indices = #map1}, {transform_indices = #map}, {transform_indices = #map}]} {
    %mul3A = arith.constant 16 : i32
    %mul3A_0 = arith.muli %arg0, %mul3A : i32
    %add3A = arith.addi %mul3A_0, %arg1 : i32
    %mul3A_1 = arith.constant 80 : i32
    %mul3A_2 = arith.muli %add3A, %mul3A_1 : i32
    "tpu.region"() ({
      %run_scoped3A = tpu.sem_alloc : memref<!tpu.dma_semaphore, #tpu.memory_space<semaphore_mem>>
      %dma_start3A = arith.constant 0 : i32
      %dma_start3A_64 = tpu.memref_slice %arg2[%mul3A_2, %dma_start3A] : memref<2560x128xi32, #tpu.memory_space<hbm>> -> memref<80x128xi32, #tpu.memory_space<hbm>>
      %dma_start3A_65 = arith.constant 0 : i32
      %dma_start3A_66 = tpu.memref_slice %arg2[%mul3A_2, %dma_start3A_65] : memref<2560x128xi32, #tpu.memory_space<hbm>> -> memref<80x128xi32, #tpu.memory_space<hbm>>
      tpu.enqueue_dma source(%dma_start3A_66 : memref<80x128xi32, #tpu.memory_space<hbm>>) target(%arg7 : memref<80x128xi32, #tpu.memory_space<vmem>>) target_semaphore(%run_scoped3A : memref<!tpu.dma_semaphore, #tpu.memory_space<semaphore_mem>>)
      %dma_wait3A = arith.constant 0 : i32
      %dma_wait3A_67 = tpu.memref_slice %arg2[%mul3A_2, %dma_wait3A] : memref<2560x128xi32, #tpu.memory_space<hbm>> -> memref<80x128xi32, #tpu.memory_space<hbm>>
      %dma_wait3A_68 = arith.constant 0 : i32
      %dma_wait3A_69 = tpu.memref_slice %arg2[%mul3A_2, %dma_wait3A_68] : memref<2560x128xi32, #tpu.memory_space<hbm>> -> memref<80x128xi32, #tpu.memory_space<hbm>>
      tpu.wait_dma2 semaphore(%run_scoped3A : memref<!tpu.dma_semaphore, #tpu.memory_space<semaphore_mem>>) src(%dma_wait3A_69 : memref<80x128xi32, #tpu.memory_space<hbm>>) dst(%arg7 : memref<80x128xi32, #tpu.memory_space<vmem>>)
      tpu.yield
    }) : () -> ()
    %mul3A_3 = arith.constant 80 : i32
    %mul3A_4 = arith.muli %add3A, %mul3A_3 : i32
    "tpu.region"() ({
      %run_scoped3A = tpu.sem_alloc : memref<!tpu.dma_semaphore, #tpu.memory_space<semaphore_mem>>
      %dma_start3A = arith.constant 0 : i32
      %dma_start3A_64 = tpu.memref_slice %arg3[%mul3A_4, %dma_start3A] : memref<2560x128xf32, #tpu.memory_space<hbm>> -> memref<80x128xf32, #tpu.memory_space<hbm>>
      %dma_start3A_65 = arith.constant 0 : i32
      %dma_start3A_66 = tpu.memref_slice %arg3[%mul3A_4, %dma_start3A_65] : memref<2560x128xf32, #tpu.memory_space<hbm>> -> memref<80x128xf32, #tpu.memory_space<hbm>>
      tpu.enqueue_dma source(%dma_start3A_66 : memref<80x128xf32, #tpu.memory_space<hbm>>) target(%arg8 : memref<80x128xf32, #tpu.memory_space<vmem>>) target_semaphore(%run_scoped3A : memref<!tpu.dma_semaphore, #tpu.memory_space<semaphore_mem>>)
      %dma_wait3A = arith.constant 0 : i32
      %dma_wait3A_67 = tpu.memref_slice %arg3[%mul3A_4, %dma_wait3A] : memref<2560x128xf32, #tpu.memory_space<hbm>> -> memref<80x128xf32, #tpu.memory_space<hbm>>
      %dma_wait3A_68 = arith.constant 0 : i32
      %dma_wait3A_69 = tpu.memref_slice %arg3[%mul3A_4, %dma_wait3A_68] : memref<2560x128xf32, #tpu.memory_space<hbm>> -> memref<80x128xf32, #tpu.memory_space<hbm>>
      tpu.wait_dma2 semaphore(%run_scoped3A : memref<!tpu.dma_semaphore, #tpu.memory_space<semaphore_mem>>) src(%dma_wait3A_69 : memref<80x128xf32, #tpu.memory_space<hbm>>) dst(%arg8 : memref<80x128xf32, #tpu.memory_space<vmem>>)
      tpu.yield
    }) : () -> ()
    %broadcast_in_dim3A = arith.constant 1.000000e+00 : f32
    %broadcast_in_dim3A_5 = vector.broadcast %broadcast_in_dim3A : f32 to vector<16xf32>
    %swap3A = arith.constant 0 : index
    %swap3A_6 = tpu.vector_load %arg9[%swap3A] {strides = array<i32>} : memref<128xf32, #tpu.memory_space<vmem>>, vector<16xf32>,
    %swap3A_7 = vector.shape_cast %swap3A_6 : vector<16xf32> to vector<16xf32>
    %swap3A_8 = vector.shape_cast %broadcast_in_dim3A_5 : vector<16xf32> to vector<16xf32>
    tpu.vector_store %arg9[%swap3A], %swap3A_8 {strides = array<i32>} : memref<128xf32, #tpu.memory_space<vmem>>, vector<16xf32>,
    %broadcast_in_dim3A_9 = arith.constant 1.000000e+00 : f32
    %broadcast_in_dim3A_10 = vector.broadcast %broadcast_in_dim3A_9 : f32 to vector<16xf32>
    %swap3A_11 = arith.constant 16 : index
    %swap3A_12 = tpu.vector_load %arg9[%swap3A_11] {strides = array<i32>} : memref<128xf32, #tpu.memory_space<vmem>>, vector<16xf32>,
    %swap3A_13 = vector.shape_cast %swap3A_12 : vector<16xf32> to vector<16xf32>
    %swap3A_14 = vector.shape_cast %broadcast_in_dim3A_10 : vector<16xf32> to vector<16xf32>
    tpu.vector_store %arg9[%swap3A_11], %swap3A_14 {strides = array<i32>} : memref<128xf32, #tpu.memory_space<vmem>>, vector<16xf32>,
    %broadcast_in_dim3A_15 = arith.constant 1.000000e+00 : f32
    %broadcast_in_dim3A_16 = vector.broadcast %broadcast_in_dim3A_15 : f32 to vector<16xf32>
    %swap3A_17 = arith.constant 32 : index
    %swap3A_18 = tpu.vector_load %arg9[%swap3A_17] {strides = array<i32>} : memref<128xf32, #tpu.memory_space<vmem>>, vector<16xf32>,
    %swap3A_19 = vector.shape_cast %swap3A_18 : vector<16xf32> to vector<16xf32>
    %swap3A_20 = vector.shape_cast %broadcast_in_dim3A_16 : vector<16xf32> to vector<16xf32>
    tpu.vector_store %arg9[%swap3A_17], %swap3A_20 {strides = array<i32>} : memref<128xf32, #tpu.memory_space<vmem>>, vector<16xf32>,
    %broadcast_in_dim3A_21 = arith.constant 1.000000e+00 : f32
    %broadcast_in_dim3A_22 = vector.broadcast %broadcast_in_dim3A_21 : f32 to vector<16xf32>
    %swap3A_23 = arith.constant 48 : index
    %swap3A_24 = tpu.vector_load %arg9[%swap3A_23] {strides = array<i32>} : memref<128xf32, #tpu.memory_space<vmem>>, vector<16xf32>,
    %swap3A_25 = vector.shape_cast %swap3A_24 : vector<16xf32> to vector<16xf32>
    %swap3A_26 = vector.shape_cast %broadcast_in_dim3A_22 : vector<16xf32> to vector<16xf32>
    tpu.vector_store %arg9[%swap3A_23], %swap3A_26 {strides = array<i32>} : memref<128xf32, #tpu.memory_space<vmem>>, vector<16xf32>,
    %broadcast_in_dim3A_27 = arith.constant 1.000000e+00 : f32
    %broadcast_in_dim3A_28 = vector.broadcast %broadcast_in_dim3A_27 : f32 to vector<16xf32>
    %swap3A_29 = arith.constant 64 : index
    %swap3A_30 = tpu.vector_load %arg9[%swap3A_29] {strides = array<i32>} : memref<128xf32, #tpu.memory_space<vmem>>, vector<16xf32>,
    %swap3A_31 = vector.shape_cast %swap3A_30 : vector<16xf32> to vector<16xf32>
    %swap3A_32 = vector.shape_cast %broadcast_in_dim3A_28 : vector<16xf32> to vector<16xf32>
    tpu.vector_store %arg9[%swap3A_29], %swap3A_32 {strides = array<i32>} : memref<128xf32, #tpu.memory_space<vmem>>, vector<16xf32>,
    %broadcast_in_dim3A_33 = arith.constant 1.000000e+00 : f32
    %broadcast_in_dim3A_34 = vector.broadcast %broadcast_in_dim3A_33 : f32 to vector<16xf32>
    %swap3A_35 = arith.constant 80 : index
    %swap3A_36 = tpu.vector_load %arg9[%swap3A_35] {strides = array<i32>} : memref<128xf32, #tpu.memory_space<vmem>>, vector<16xf32>,
    %swap3A_37 = vector.shape_cast %swap3A_36 : vector<16xf32> to vector<16xf32>
    %swap3A_38 = vector.shape_cast %broadcast_in_dim3A_34 : vector<16xf32> to vector<16xf32>
    tpu.vector_store %arg9[%swap3A_35], %swap3A_38 {strides = array<i32>} : memref<128xf32, #tpu.memory_space<vmem>>, vector<16xf32>,
    %broadcast_in_dim3A_39 = arith.constant 1.000000e+00 : f32
    %broadcast_in_dim3A_40 = vector.broadcast %broadcast_in_dim3A_39 : f32 to vector<16xf32>
    %swap3A_41 = arith.constant 96 : index
    %swap3A_42 = tpu.vector_load %arg9[%swap3A_41] {strides = array<i32>} : memref<128xf32, #tpu.memory_space<vmem>>, vector<16xf32>,
    %swap3A_43 = vector.shape_cast %swap3A_42 : vector<16xf32> to vector<16xf32>
    %swap3A_44 = vector.shape_cast %broadcast_in_dim3A_40 : vector<16xf32> to vector<16xf32>
    tpu.vector_store %arg9[%swap3A_41], %swap3A_44 {strides = array<i32>} : memref<128xf32, #tpu.memory_space<vmem>>, vector<16xf32>,
    %broadcast_in_dim3A_45 = arith.constant 1.000000e+00 : f32
    %broadcast_in_dim3A_46 = vector.broadcast %broadcast_in_dim3A_45 : f32 to vector<16xf32>
    %swap3A_47 = arith.constant 112 : index
    %swap3A_48 = tpu.vector_load %arg9[%swap3A_47] {strides = array<i32>} : memref<128xf32, #tpu.memory_space<vmem>>, vector<16xf32>,
    %swap3A_49 = vector.shape_cast %swap3A_48 : vector<16xf32> to vector<16xf32>
    %swap3A_50 = vector.shape_cast %broadcast_in_dim3A_46 : vector<16xf32> to vector<16xf32>
    tpu.vector_store %arg9[%swap3A_47], %swap3A_50 {strides = array<i32>} : memref<128xf32, #tpu.memory_space<vmem>>, vector<16xf32>,
    %eq3A = arith.constant 0 : i32
    %eq3A_51 = arith.cmpi eq, %arg1, %eq3A : i32
    %convert_element_type3A = arith.extui %eq3A_51 : i1 to i32
    %cond3A = arith.constant 0 : i32
    %cond3A_52 = arith.cmpi ne, %convert_element_type3A, %cond3A : i32
    scf.if %cond3A_52 {
      "tpu.region"() ({
        %run_scoped3A = tpu.sem_alloc : memref<!tpu.dma_semaphore, #tpu.memory_space<semaphore_mem>>
        tpu.enqueue_dma source(%arg4 : memref<10016xf32, #tpu.memory_space<hbm>>) target(%arg10 : memref<10016xf32, #tpu.memory_space<vmem_shared>>) target_semaphore(%run_scoped3A : memref<!tpu.dma_semaphore, #tpu.memory_space<semaphore_mem>>)
        tpu.wait_dma2 semaphore(%run_scoped3A : memref<!tpu.dma_semaphore, #tpu.memory_space<semaphore_mem>>) src(%arg4 : memref<10016xf32, #tpu.memory_space<hbm>>) dst(%arg10 : memref<10016xf32, #tpu.memory_space<vmem_shared>>)
        tpu.yield
      }) : () -> ()
      "tpu.region"() ({
        %run_scoped3A = tpu.sem_alloc : memref<!tpu.dma_semaphore, #tpu.memory_space<semaphore_mem>>
        tpu.enqueue_dma source(%arg4 : memref<10016xf32, #tpu.memory_space<hbm>>) target(%arg11 : memref<10016xf32, #tpu.memory_space<vmem_shared>>) target_semaphore(%run_scoped3A : memref<!tpu.dma_semaphore, #tpu.memory_space<semaphore_mem>>)
        tpu.wait_dma2 semaphore(%run_scoped3A : memref<!tpu.dma_semaphore, #tpu.memory_space<semaphore_mem>>) src(%arg4 : memref<10016xf32, #tpu.memory_space<hbm>>) dst(%arg11 : memref<10016xf32, #tpu.memory_space<vmem_shared>>)
        tpu.yield
      }) : () -> ()
    } else {
    }
    %barrier3A = arith.constant 0 : index
    tpu.barrier barrier_id(%barrier3A)
    %scan3A = arith.constant 0 : i32
    %scan3A_53 = arith.constant 0 : i32
    %scan3A_54 = arith.constant 10 : i32
    %scan3A_55 = arith.addi %scan3A_53, %scan3A_54 : i32
    %scan3A_56 = arith.constant 1 : i32
    scf.for %scan3A_64 = %scan3A_53 to %scan3A_55 step %scan3A_56  : i32 {
      %mul3A_65 = arith.constant 8 : i32
      %mul3A_66 = arith.muli %scan3A_64, %mul3A_65 : i32
      %add3A_67 = arith.constant 0 : i32
      %add3A_68 = arith.addi %mul3A_66, %add3A_67 : i32
      %dma_start3A = arith.constant 0 : i32
      %dma_start3A_69 = tpu.memref_slice %arg8[%add3A_68, %dma_start3A] : memref<80x128xf32, #tpu.memory_space<vmem>> -> memref<1x128xf32, #tpu.memory_space<vmem>>
      %dma_start3A_70 = tpu.memref_squeeze %dma_start3A_69 : memref<1x128xf32, #tpu.memory_space<vmem>> -> memref<128xf32, #tpu.memory_space<vmem>>
      %dma_start3A_71 = arith.constant 0 : i32
      %dma_start3A_72 = tpu.memref_slice %arg7[%add3A_68, %dma_start3A_71] : memref<80x128xi32, #tpu.memory_space<vmem>> -> memref<1x128xi32, #tpu.memory_space<vmem>>
      %dma_start3A_73 = tpu.memref_squeeze %dma_start3A_72 : memref<1x128xi32, #tpu.memory_space<vmem>> -> memref<128xi32, #tpu.memory_space<vmem>>
      %dma_start3A_74 = arith.constant 0 : i32
      %dma_start3A_75 = tpu.memref_slice %arg10[%dma_start3A_74] : memref<10016xf32, #tpu.memory_space<vmem_shared>> -> memref<10016xf32, #tpu.memory_space<vmem_shared>>
      tpu.enqueue_indirect_dma source(%dma_start3A_70 : memref<128xf32, #tpu.memory_space<vmem>>) target(%dma_start3A_75 : memref<10016xf32, #tpu.memory_space<vmem_shared>>) offsets(%dma_start3A_73 : memref<128xi32, #tpu.memory_space<vmem>>) semaphore(%arg12 : memref<!tpu.dma_semaphore, #tpu.memory_space<semaphore_mem>>) {add = true}
      %dma_start3A_76 = arith.constant 0 : i32
      %dma_start3A_77 = tpu.memref_slice %arg7[%add3A_68, %dma_start3A_76] : memref<80x128xi32, #tpu.memory_space<vmem>> -> memref<1x128xi32, #tpu.memory_space<vmem>>
      %dma_start3A_78 = tpu.memref_squeeze %dma_start3A_77 : memref<1x128xi32, #tpu.memory_space<vmem>> -> memref<128xi32, #tpu.memory_space<vmem>>
      %dma_start3A_79 = arith.constant 0 : i32
      %dma_start3A_80 = tpu.memref_slice %arg11[%dma_start3A_79] : memref<10016xf32, #tpu.memory_space<vmem_shared>> -> memref<10016xf32, #tpu.memory_space<vmem_shared>>
      tpu.enqueue_indirect_dma source(%arg9 : memref<128xf32, #tpu.memory_space<vmem>>) target(%dma_start3A_80 : memref<10016xf32, #tpu.memory_space<vmem_shared>>) offsets(%dma_start3A_78 : memref<128xi32, #tpu.memory_space<vmem>>) semaphore(%arg12 : memref<!tpu.dma_semaphore, #tpu.memory_space<semaphore_mem>>) {add = true}
      %mul3A_81 = arith.constant 8 : i32
      %mul3A_82 = arith.muli %scan3A_64, %mul3A_81 : i32
      %add3A_83 = arith.constant 1 : i32
      %add3A_84 = arith.addi %mul3A_82, %add3A_83 : i32
      %dma_start3A_85 = arith.constant 0 : i32
      %dma_start3A_86 = tpu.memref_slice %arg8[%add3A_84, %dma_start3A_85] : memref<80x128xf32, #tpu.memory_space<vmem>> -> memref<1x128xf32, #tpu.memory_space<vmem>>
      %dma_start3A_87 = tpu.memref_squeeze %dma_start3A_86 : memref<1x128xf32, #tpu.memory_space<vmem>> -> memref<128xf32, #tpu.memory_space<vmem>>
      %dma_start3A_88 = arith.constant 0 : i32
      %dma_start3A_89 = tpu.memref_slice %arg7[%add3A_84, %dma_start3A_88] : memref<80x128xi32, #tpu.memory_space<vmem>> -> memref<1x128xi32, #tpu.memory_space<vmem>>
      %dma_start3A_90 = tpu.memref_squeeze %dma_start3A_89 : memref<1x128xi32, #tpu.memory_space<vmem>> -> memref<128xi32, #tpu.memory_space<vmem>>
      %dma_start3A_91 = arith.constant 0 : i32
      %dma_start3A_92 = tpu.memref_slice %arg10[%dma_start3A_91] : memref<10016xf32, #tpu.memory_space<vmem_shared>> -> memref<10016xf32, #tpu.memory_space<vmem_shared>>
      tpu.enqueue_indirect_dma source(%dma_start3A_87 : memref<128xf32, #tpu.memory_space<vmem>>) target(%dma_start3A_92 : memref<10016xf32, #tpu.memory_space<vmem_shared>>) offsets(%dma_start3A_90 : memref<128xi32, #tpu.memory_space<vmem>>) semaphore(%arg12 : memref<!tpu.dma_semaphore, #tpu.memory_space<semaphore_mem>>) {add = true}
      %dma_start3A_93 = arith.constant 0 : i32
      %dma_start3A_94 = tpu.memref_slice %arg7[%add3A_84, %dma_start3A_93] : memref<80x128xi32, #tpu.memory_space<vmem>> -> memref<1x128xi32, #tpu.memory_space<vmem>>
      %dma_start3A_95 = tpu.memref_squeeze %dma_start3A_94 : memref<1x128xi32, #tpu.memory_space<vmem>> -> memref<128xi32, #tpu.memory_space<vmem>>
      %dma_start3A_96 = arith.constant 0 : i32
      %dma_start3A_97 = tpu.memref_slice %arg11[%dma_start3A_96] : memref<10016xf32, #tpu.memory_space<vmem_shared>> -> memref<10016xf32, #tpu.memory_space<vmem_shared>>
      tpu.enqueue_indirect_dma source(%arg9 : memref<128xf32, #tpu.memory_space<vmem>>) target(%dma_start3A_97 : memref<10016xf32, #tpu.memory_space<vmem_shared>>) offsets(%dma_start3A_95 : memref<128xi32, #tpu.memory_space<vmem>>) semaphore(%arg12 : memref<!tpu.dma_semaphore, #tpu.memory_space<semaphore_mem>>) {add = true}
      %mul3A_98 = arith.constant 8 : i32
      %mul3A_99 = arith.muli %scan3A_64, %mul3A_98 : i32
      %add3A_100 = arith.constant 2 : i32
      %add3A_101 = arith.addi %mul3A_99, %add3A_100 : i32
      %dma_start3A_102 = arith.constant 0 : i32
      %dma_start3A_103 = tpu.memref_slice %arg8[%add3A_101, %dma_start3A_102] : memref<80x128xf32, #tpu.memory_space<vmem>> -> memref<1x128xf32, #tpu.memory_space<vmem>>
      %dma_start3A_104 = tpu.memref_squeeze %dma_start3A_103 : memref<1x128xf32, #tpu.memory_space<vmem>> -> memref<128xf32, #tpu.memory_space<vmem>>
      %dma_start3A_105 = arith.constant 0 : i32
      %dma_start3A_106 = tpu.memref_slice %arg7[%add3A_101, %dma_start3A_105] : memref<80x128xi32, #tpu.memory_space<vmem>> -> memref<1x128xi32, #tpu.memory_space<vmem>>
      %dma_start3A_107 = tpu.memref_squeeze %dma_start3A_106 : memref<1x128xi32, #tpu.memory_space<vmem>> -> memref<128xi32, #tpu.memory_space<vmem>>
      %dma_start3A_108 = arith.constant 0 : i32
      %dma_start3A_109 = tpu.memref_slice %arg10[%dma_start3A_108] : memref<10016xf32, #tpu.memory_space<vmem_shared>> -> memref<10016xf32, #tpu.memory_space<vmem_shared>>
      tpu.enqueue_indirect_dma source(%dma_start3A_104 : memref<128xf32, #tpu.memory_space<vmem>>) target(%dma_start3A_109 : memref<10016xf32, #tpu.memory_space<vmem_shared>>) offsets(%dma_start3A_107 : memref<128xi32, #tpu.memory_space<vmem>>) semaphore(%arg12 : memref<!tpu.dma_semaphore, #tpu.memory_space<semaphore_mem>>) {add = true}
      %dma_start3A_110 = arith.constant 0 : i32
      %dma_start3A_111 = tpu.memref_slice %arg7[%add3A_101, %dma_start3A_110] : memref<80x128xi32, #tpu.memory_space<vmem>> -> memref<1x128xi32, #tpu.memory_space<vmem>>
      %dma_start3A_112 = tpu.memref_squeeze %dma_start3A_111 : memref<1x128xi32, #tpu.memory_space<vmem>> -> memref<128xi32, #tpu.memory_space<vmem>>
      %dma_start3A_113 = arith.constant 0 : i32
      %dma_start3A_114 = tpu.memref_slice %arg11[%dma_start3A_113] : memref<10016xf32, #tpu.memory_space<vmem_shared>> -> memref<10016xf32, #tpu.memory_space<vmem_shared>>
      tpu.enqueue_indirect_dma source(%arg9 : memref<128xf32, #tpu.memory_space<vmem>>) target(%dma_start3A_114 : memref<10016xf32, #tpu.memory_space<vmem_shared>>) offsets(%dma_start3A_112 : memref<128xi32, #tpu.memory_space<vmem>>) semaphore(%arg12 : memref<!tpu.dma_semaphore, #tpu.memory_space<semaphore_mem>>) {add = true}
      %mul3A_115 = arith.constant 8 : i32
      %mul3A_116 = arith.muli %scan3A_64, %mul3A_115 : i32
      %add3A_117 = arith.constant 3 : i32
      %add3A_118 = arith.addi %mul3A_116, %add3A_117 : i32
      %dma_start3A_119 = arith.constant 0 : i32
      %dma_start3A_120 = tpu.memref_slice %arg8[%add3A_118, %dma_start3A_119] : memref<80x128xf32, #tpu.memory_space<vmem>> -> memref<1x128xf32, #tpu.memory_space<vmem>>
      %dma_start3A_121 = tpu.memref_squeeze %dma_start3A_120 : memref<1x128xf32, #tpu.memory_space<vmem>> -> memref<128xf32, #tpu.memory_space<vmem>>
      %dma_start3A_122 = arith.constant 0 : i32
      %dma_start3A_123 = tpu.memref_slice %arg7[%add3A_118, %dma_start3A_122] : memref<80x128xi32, #tpu.memory_space<vmem>> -> memref<1x128xi32, #tpu.memory_space<vmem>>
      %dma_start3A_124 = tpu.memref_squeeze %dma_start3A_123 : memref<1x128xi32, #tpu.memory_space<vmem>> -> memref<128xi32, #tpu.memory_space<vmem>>
      %dma_start3A_125 = arith.constant 0 : i32
      %dma_start3A_126 = tpu.memref_slice %arg10[%dma_start3A_125] : memref<10016xf32, #tpu.memory_space<vmem_shared>> -> memref<10016xf32, #tpu.memory_space<vmem_shared>>
      tpu.enqueue_indirect_dma source(%dma_start3A_121 : memref<128xf32, #tpu.memory_space<vmem>>) target(%dma_start3A_126 : memref<10016xf32, #tpu.memory_space<vmem_shared>>) offsets(%dma_start3A_124 : memref<128xi32, #tpu.memory_space<vmem>>) semaphore(%arg12 : memref<!tpu.dma_semaphore, #tpu.memory_space<semaphore_mem>>) {add = true}
      %dma_start3A_127 = arith.constant 0 : i32
      %dma_start3A_128 = tpu.memref_slice %arg7[%add3A_118, %dma_start3A_127] : memref<80x128xi32, #tpu.memory_space<vmem>> -> memref<1x128xi32, #tpu.memory_space<vmem>>
      %dma_start3A_129 = tpu.memref_squeeze %dma_start3A_128 : memref<1x128xi32, #tpu.memory_space<vmem>> -> memref<128xi32, #tpu.memory_space<vmem>>
      %dma_start3A_130 = arith.constant 0 : i32
      %dma_start3A_131 = tpu.memref_slice %arg11[%dma_start3A_130] : memref<10016xf32, #tpu.memory_space<vmem_shared>> -> memref<10016xf32, #tpu.memory_space<vmem_shared>>
      tpu.enqueue_indirect_dma source(%arg9 : memref<128xf32, #tpu.memory_space<vmem>>) target(%dma_start3A_131 : memref<10016xf32, #tpu.memory_space<vmem_shared>>) offsets(%dma_start3A_129 : memref<128xi32, #tpu.memory_space<vmem>>) semaphore(%arg12 : memref<!tpu.dma_semaphore, #tpu.memory_space<semaphore_mem>>) {add = true}
      %mul3A_132 = arith.constant 8 : i32
      %mul3A_133 = arith.muli %scan3A_64, %mul3A_132 : i32
      %add3A_134 = arith.constant 4 : i32
      %add3A_135 = arith.addi %mul3A_133, %add3A_134 : i32
      %dma_start3A_136 = arith.constant 0 : i32
      %dma_start3A_137 = tpu.memref_slice %arg8[%add3A_135, %dma_start3A_136] : memref<80x128xf32, #tpu.memory_space<vmem>> -> memref<1x128xf32, #tpu.memory_space<vmem>>
      %dma_start3A_138 = tpu.memref_squeeze %dma_start3A_137 : memref<1x128xf32, #tpu.memory_space<vmem>> -> memref<128xf32, #tpu.memory_space<vmem>>
      %dma_start3A_139 = arith.constant 0 : i32
      %dma_start3A_140 = tpu.memref_slice %arg7[%add3A_135, %dma_start3A_139] : memref<80x128xi32, #tpu.memory_space<vmem>> -> memref<1x128xi32, #tpu.memory_space<vmem>>
      %dma_start3A_141 = tpu.memref_squeeze %dma_start3A_140 : memref<1x128xi32, #tpu.memory_space<vmem>> -> memref<128xi32, #tpu.memory_space<vmem>>
      %dma_start3A_142 = arith.constant 0 : i32
      %dma_start3A_143 = tpu.memref_slice %arg10[%dma_start3A_142] : memref<10016xf32, #tpu.memory_space<vmem_shared>> -> memref<10016xf32, #tpu.memory_space<vmem_shared>>
      tpu.enqueue_indirect_dma source(%dma_start3A_138 : memref<128xf32, #tpu.memory_space<vmem>>) target(%dma_start3A_143 : memref<10016xf32, #tpu.memory_space<vmem_shared>>) offsets(%dma_start3A_141 : memref<128xi32, #tpu.memory_space<vmem>>) semaphore(%arg12 : memref<!tpu.dma_semaphore, #tpu.memory_space<semaphore_mem>>) {add = true}
      %dma_start3A_144 = arith.constant 0 : i32
      %dma_start3A_145 = tpu.memref_slice %arg7[%add3A_135, %dma_start3A_144] : memref<80x128xi32, #tpu.memory_space<vmem>> -> memref<1x128xi32, #tpu.memory_space<vmem>>
      %dma_start3A_146 = tpu.memref_squeeze %dma_start3A_145 : memref<1x128xi32, #tpu.memory_space<vmem>> -> memref<128xi32, #tpu.memory_space<vmem>>
      %dma_start3A_147 = arith.constant 0 : i32
      %dma_start3A_148 = tpu.memref_slice %arg11[%dma_start3A_147] : memref<10016xf32, #tpu.memory_space<vmem_shared>> -> memref<10016xf32, #tpu.memory_space<vmem_shared>>
      tpu.enqueue_indirect_dma source(%arg9 : memref<128xf32, #tpu.memory_space<vmem>>) target(%dma_start3A_148 : memref<10016xf32, #tpu.memory_space<vmem_shared>>) offsets(%dma_start3A_146 : memref<128xi32, #tpu.memory_space<vmem>>) semaphore(%arg12 : memref<!tpu.dma_semaphore, #tpu.memory_space<semaphore_mem>>) {add = true}
      %mul3A_149 = arith.constant 8 : i32
      %mul3A_150 = arith.muli %scan3A_64, %mul3A_149 : i32
      %add3A_151 = arith.constant 5 : i32
      %add3A_152 = arith.addi %mul3A_150, %add3A_151 : i32
      %dma_start3A_153 = arith.constant 0 : i32
      %dma_start3A_154 = tpu.memref_slice %arg8[%add3A_152, %dma_start3A_153] : memref<80x128xf32, #tpu.memory_space<vmem>> -> memref<1x128xf32, #tpu.memory_space<vmem>>
      %dma_start3A_155 = tpu.memref_squeeze %dma_start3A_154 : memref<1x128xf32, #tpu.memory_space<vmem>> -> memref<128xf32, #tpu.memory_space<vmem>>
      %dma_start3A_156 = arith.constant 0 : i32
      %dma_start3A_157 = tpu.memref_slice %arg7[%add3A_152, %dma_start3A_156] : memref<80x128xi32, #tpu.memory_space<vmem>> -> memref<1x128xi32, #tpu.memory_space<vmem>>
      %dma_start3A_158 = tpu.memref_squeeze %dma_start3A_157 : memref<1x128xi32, #tpu.memory_space<vmem>> -> memref<128xi32, #tpu.memory_space<vmem>>
      %dma_start3A_159 = arith.constant 0 : i32
      %dma_start3A_160 = tpu.memref_slice %arg10[%dma_start3A_159] : memref<10016xf32, #tpu.memory_space<vmem_shared>> -> memref<10016xf32, #tpu.memory_space<vmem_shared>>
      tpu.enqueue_indirect_dma source(%dma_start3A_155 : memref<128xf32, #tpu.memory_space<vmem>>) target(%dma_start3A_160 : memref<10016xf32, #tpu.memory_space<vmem_shared>>) offsets(%dma_start3A_158 : memref<128xi32, #tpu.memory_space<vmem>>) semaphore(%arg12 : memref<!tpu.dma_semaphore, #tpu.memory_space<semaphore_mem>>) {add = true}
      %dma_start3A_161 = arith.constant 0 : i32
      %dma_start3A_162 = tpu.memref_slice %arg7[%add3A_152, %dma_start3A_161] : memref<80x128xi32, #tpu.memory_space<vmem>> -> memref<1x128xi32, #tpu.memory_space<vmem>>
      %dma_start3A_163 = tpu.memref_squeeze %dma_start3A_162 : memref<1x128xi32, #tpu.memory_space<vmem>> -> memref<128xi32, #tpu.memory_space<vmem>>
      %dma_start3A_164 = arith.constant 0 : i32
      %dma_start3A_165 = tpu.memref_slice %arg11[%dma_start3A_164] : memref<10016xf32, #tpu.memory_space<vmem_shared>> -> memref<10016xf32, #tpu.memory_space<vmem_shared>>
      tpu.enqueue_indirect_dma source(%arg9 : memref<128xf32, #tpu.memory_space<vmem>>) target(%dma_start3A_165 : memref<10016xf32, #tpu.memory_space<vmem_shared>>) offsets(%dma_start3A_163 : memref<128xi32, #tpu.memory_space<vmem>>) semaphore(%arg12 : memref<!tpu.dma_semaphore, #tpu.memory_space<semaphore_mem>>) {add = true}
      %mul3A_166 = arith.constant 8 : i32
      %mul3A_167 = arith.muli %scan3A_64, %mul3A_166 : i32
      %add3A_168 = arith.constant 6 : i32
      %add3A_169 = arith.addi %mul3A_167, %add3A_168 : i32
      %dma_start3A_170 = arith.constant 0 : i32
      %dma_start3A_171 = tpu.memref_slice %arg8[%add3A_169, %dma_start3A_170] : memref<80x128xf32, #tpu.memory_space<vmem>> -> memref<1x128xf32, #tpu.memory_space<vmem>>
      %dma_start3A_172 = tpu.memref_squeeze %dma_start3A_171 : memref<1x128xf32, #tpu.memory_space<vmem>> -> memref<128xf32, #tpu.memory_space<vmem>>
      %dma_start3A_173 = arith.constant 0 : i32
      %dma_start3A_174 = tpu.memref_slice %arg7[%add3A_169, %dma_start3A_173] : memref<80x128xi32, #tpu.memory_space<vmem>> -> memref<1x128xi32, #tpu.memory_space<vmem>>
      %dma_start3A_175 = tpu.memref_squeeze %dma_start3A_174 : memref<1x128xi32, #tpu.memory_space<vmem>> -> memref<128xi32, #tpu.memory_space<vmem>>
      %dma_start3A_176 = arith.constant 0 : i32
      %dma_start3A_177 = tpu.memref_slice %arg10[%dma_start3A_176] : memref<10016xf32, #tpu.memory_space<vmem_shared>> -> memref<10016xf32, #tpu.memory_space<vmem_shared>>
      tpu.enqueue_indirect_dma source(%dma_start3A_172 : memref<128xf32, #tpu.memory_space<vmem>>) target(%dma_start3A_177 : memref<10016xf32, #tpu.memory_space<vmem_shared>>) offsets(%dma_start3A_175 : memref<128xi32, #tpu.memory_space<vmem>>) semaphore(%arg12 : memref<!tpu.dma_semaphore, #tpu.memory_space<semaphore_mem>>) {add = true}
      %dma_start3A_178 = arith.constant 0 : i32
      %dma_start3A_179 = tpu.memref_slice %arg7[%add3A_169, %dma_start3A_178] : memref<80x128xi32, #tpu.memory_space<vmem>> -> memref<1x128xi32, #tpu.memory_space<vmem>>
      %dma_start3A_180 = tpu.memref_squeeze %dma_start3A_179 : memref<1x128xi32, #tpu.memory_space<vmem>> -> memref<128xi32, #tpu.memory_space<vmem>>
      %dma_start3A_181 = arith.constant 0 : i32
      %dma_start3A_182 = tpu.memref_slice %arg11[%dma_start3A_181] : memref<10016xf32, #tpu.memory_space<vmem_shared>> -> memref<10016xf32, #tpu.memory_space<vmem_shared>>
      tpu.enqueue_indirect_dma source(%arg9 : memref<128xf32, #tpu.memory_space<vmem>>) target(%dma_start3A_182 : memref<10016xf32, #tpu.memory_space<vmem_shared>>) offsets(%dma_start3A_180 : memref<128xi32, #tpu.memory_space<vmem>>) semaphore(%arg12 : memref<!tpu.dma_semaphore, #tpu.memory_space<semaphore_mem>>) {add = true}
      %mul3A_183 = arith.constant 8 : i32
      %mul3A_184 = arith.muli %scan3A_64, %mul3A_183 : i32
      %add3A_185 = arith.constant 7 : i32
      %add3A_186 = arith.addi %mul3A_184, %add3A_185 : i32
      %dma_start3A_187 = arith.constant 0 : i32
      %dma_start3A_188 = tpu.memref_slice %arg8[%add3A_186, %dma_start3A_187] : memref<80x128xf32, #tpu.memory_space<vmem>> -> memref<1x128xf32, #tpu.memory_space<vmem>>
      %dma_start3A_189 = tpu.memref_squeeze %dma_start3A_188 : memref<1x128xf32, #tpu.memory_space<vmem>> -> memref<128xf32, #tpu.memory_space<vmem>>
      %dma_start3A_190 = arith.constant 0 : i32
      %dma_start3A_191 = tpu.memref_slice %arg7[%add3A_186, %dma_start3A_190] : memref<80x128xi32, #tpu.memory_space<vmem>> -> memref<1x128xi32, #tpu.memory_space<vmem>>
      %dma_start3A_192 = tpu.memref_squeeze %dma_start3A_191 : memref<1x128xi32, #tpu.memory_space<vmem>> -> memref<128xi32, #tpu.memory_space<vmem>>
      %dma_start3A_193 = arith.constant 0 : i32
      %dma_start3A_194 = tpu.memref_slice %arg10[%dma_start3A_193] : memref<10016xf32, #tpu.memory_space<vmem_shared>> -> memref<10016xf32, #tpu.memory_space<vmem_shared>>
      tpu.enqueue_indirect_dma source(%dma_start3A_189 : memref<128xf32, #tpu.memory_space<vmem>>) target(%dma_start3A_194 : memref<10016xf32, #tpu.memory_space<vmem_shared>>) offsets(%dma_start3A_192 : memref<128xi32, #tpu.memory_space<vmem>>) semaphore(%arg12 : memref<!tpu.dma_semaphore, #tpu.memory_space<semaphore_mem>>) {add = true}
      %dma_start3A_195 = arith.constant 0 : i32
      %dma_start3A_196 = tpu.memref_slice %arg7[%add3A_186, %dma_start3A_195] : memref<80x128xi32, #tpu.memory_space<vmem>> -> memref<1x128xi32, #tpu.memory_space<vmem>>
      %dma_start3A_197 = tpu.memref_squeeze %dma_start3A_196 : memref<1x128xi32, #tpu.memory_space<vmem>> -> memref<128xi32, #tpu.memory_space<vmem>>
      %dma_start3A_198 = arith.constant 0 : i32
      %dma_start3A_199 = tpu.memref_slice %arg11[%dma_start3A_198] : memref<10016xf32, #tpu.memory_space<vmem_shared>> -> memref<10016xf32, #tpu.memory_space<vmem_shared>>
      tpu.enqueue_indirect_dma source(%arg9 : memref<128xf32, #tpu.memory_space<vmem>>) target(%dma_start3A_199 : memref<10016xf32, #tpu.memory_space<vmem_shared>>) offsets(%dma_start3A_197 : memref<128xi32, #tpu.memory_space<vmem>>) semaphore(%arg12 : memref<!tpu.dma_semaphore, #tpu.memory_space<semaphore_mem>>) {add = true}
      %dma_wait3A = arith.constant 0 : i32
      %dma_wait3A_200 = tpu.memref_slice %arg8[%add3A_68, %dma_wait3A] : memref<80x128xf32, #tpu.memory_space<vmem>> -> memref<1x128xf32, #tpu.memory_space<vmem>>
      %dma_wait3A_201 = tpu.memref_squeeze %dma_wait3A_200 : memref<1x128xf32, #tpu.memory_space<vmem>> -> memref<128xf32, #tpu.memory_space<vmem>>
      %dma_wait3A_202 = arith.constant 0 : i32
      %dma_wait3A_203 = tpu.memref_slice %arg7[%add3A_68, %dma_wait3A_202] : memref<80x128xi32, #tpu.memory_space<vmem>> -> memref<1x128xi32, #tpu.memory_space<vmem>>
      %dma_wait3A_204 = tpu.memref_squeeze %dma_wait3A_203 : memref<1x128xi32, #tpu.memory_space<vmem>> -> memref<128xi32, #tpu.memory_space<vmem>>
      %dma_wait3A_205 = arith.constant 0 : i32
      %dma_wait3A_206 = tpu.memref_slice %arg10[%dma_wait3A_205] : memref<10016xf32, #tpu.memory_space<vmem_shared>> -> memref<10016xf32, #tpu.memory_space<vmem_shared>>
      tpu.wait_indirect_dma semaphore(%arg12 : memref<!tpu.dma_semaphore, #tpu.memory_space<semaphore_mem>>) src(%dma_wait3A_201 : memref<128xf32, #tpu.memory_space<vmem>>) dst(%dma_wait3A_206 : memref<10016xf32, #tpu.memory_space<vmem_shared>>)
      %dma_wait3A_207 = arith.constant 0 : i32
      %dma_wait3A_208 = tpu.memref_slice %arg7[%add3A_68, %dma_wait3A_207] : memref<80x128xi32, #tpu.memory_space<vmem>> -> memref<1x128xi32, #tpu.memory_space<vmem>>
      %dma_wait3A_209 = tpu.memref_squeeze %dma_wait3A_208 : memref<1x128xi32, #tpu.memory_space<vmem>> -> memref<128xi32, #tpu.memory_space<vmem>>
      %dma_wait3A_210 = arith.constant 0 : i32
      %dma_wait3A_211 = tpu.memref_slice %arg11[%dma_wait3A_210] : memref<10016xf32, #tpu.memory_space<vmem_shared>> -> memref<10016xf32, #tpu.memory_space<vmem_shared>>
      tpu.wait_indirect_dma semaphore(%arg12 : memref<!tpu.dma_semaphore, #tpu.memory_space<semaphore_mem>>) src(%arg9 : memref<128xf32, #tpu.memory_space<vmem>>) dst(%dma_wait3A_211 : memref<10016xf32, #tpu.memory_space<vmem_shared>>)
      %dma_wait3A_212 = arith.constant 0 : i32
      %dma_wait3A_213 = tpu.memref_slice %arg8[%add3A_84, %dma_wait3A_212] : memref<80x128xf32, #tpu.memory_space<vmem>> -> memref<1x128xf32, #tpu.memory_space<vmem>>
      %dma_wait3A_214 = tpu.memref_squeeze %dma_wait3A_213 : memref<1x128xf32, #tpu.memory_space<vmem>> -> memref<128xf32, #tpu.memory_space<vmem>>
      %dma_wait3A_215 = arith.constant 0 : i32
      %dma_wait3A_216 = tpu.memref_slice %arg7[%add3A_84, %dma_wait3A_215] : memref<80x128xi32, #tpu.memory_space<vmem>> -> memref<1x128xi32, #tpu.memory_space<vmem>>
      %dma_wait3A_217 = tpu.memref_squeeze %dma_wait3A_216 : memref<1x128xi32, #tpu.memory_space<vmem>> -> memref<128xi32, #tpu.memory_space<vmem>>
      %dma_wait3A_218 = arith.constant 0 : i32
      %dma_wait3A_219 = tpu.memref_slice %arg10[%dma_wait3A_218] : memref<10016xf32, #tpu.memory_space<vmem_shared>> -> memref<10016xf32, #tpu.memory_space<vmem_shared>>
      tpu.wait_indirect_dma semaphore(%arg12 : memref<!tpu.dma_semaphore, #tpu.memory_space<semaphore_mem>>) src(%dma_wait3A_214 : memref<128xf32, #tpu.memory_space<vmem>>) dst(%dma_wait3A_219 : memref<10016xf32, #tpu.memory_space<vmem_shared>>)
      %dma_wait3A_220 = arith.constant 0 : i32
      %dma_wait3A_221 = tpu.memref_slice %arg7[%add3A_84, %dma_wait3A_220] : memref<80x128xi32, #tpu.memory_space<vmem>> -> memref<1x128xi32, #tpu.memory_space<vmem>>
      %dma_wait3A_222 = tpu.memref_squeeze %dma_wait3A_221 : memref<1x128xi32, #tpu.memory_space<vmem>> -> memref<128xi32, #tpu.memory_space<vmem>>
      %dma_wait3A_223 = arith.constant 0 : i32
      %dma_wait3A_224 = tpu.memref_slice %arg11[%dma_wait3A_223] : memref<10016xf32, #tpu.memory_space<vmem_shared>> -> memref<10016xf32, #tpu.memory_space<vmem_shared>>
      tpu.wait_indirect_dma semaphore(%arg12 : memref<!tpu.dma_semaphore, #tpu.memory_space<semaphore_mem>>) src(%arg9 : memref<128xf32, #tpu.memory_space<vmem>>) dst(%dma_wait3A_224 : memref<10016xf32, #tpu.memory_space<vmem_shared>>)
      %dma_wait3A_225 = arith.constant 0 : i32
      %dma_wait3A_226 = tpu.memref_slice %arg8[%add3A_101, %dma_wait3A_225] : memref<80x128xf32, #tpu.memory_space<vmem>> -> memref<1x128xf32, #tpu.memory_space<vmem>>
      %dma_wait3A_227 = tpu.memref_squeeze %dma_wait3A_226 : memref<1x128xf32, #tpu.memory_space<vmem>> -> memref<128xf32, #tpu.memory_space<vmem>>
      %dma_wait3A_228 = arith.constant 0 : i32
      %dma_wait3A_229 = tpu.memref_slice %arg7[%add3A_101, %dma_wait3A_228] : memref<80x128xi32, #tpu.memory_space<vmem>> -> memref<1x128xi32, #tpu.memory_space<vmem>>
      %dma_wait3A_230 = tpu.memref_squeeze %dma_wait3A_229 : memref<1x128xi32, #tpu.memory_space<vmem>> -> memref<128xi32, #tpu.memory_space<vmem>>
      %dma_wait3A_231 = arith.constant 0 : i32
      %dma_wait3A_232 = tpu.memref_slice %arg10[%dma_wait3A_231] : memref<10016xf32, #tpu.memory_space<vmem_shared>> -> memref<10016xf32, #tpu.memory_space<vmem_shared>>
      tpu.wait_indirect_dma semaphore(%arg12 : memref<!tpu.dma_semaphore, #tpu.memory_space<semaphore_mem>>) src(%dma_wait3A_227 : memref<128xf32, #tpu.memory_space<vmem>>) dst(%dma_wait3A_232 : memref<10016xf32, #tpu.memory_space<vmem_shared>>)
      %dma_wait3A_233 = arith.constant 0 : i32
      %dma_wait3A_234 = tpu.memref_slice %arg7[%add3A_101, %dma_wait3A_233] : memref<80x128xi32, #tpu.memory_space<vmem>> -> memref<1x128xi32, #tpu.memory_space<vmem>>
      %dma_wait3A_235 = tpu.memref_squeeze %dma_wait3A_234 : memref<1x128xi32, #tpu.memory_space<vmem>> -> memref<128xi32, #tpu.memory_space<vmem>>
      %dma_wait3A_236 = arith.constant 0 : i32
      %dma_wait3A_237 = tpu.memref_slice %arg11[%dma_wait3A_236] : memref<10016xf32, #tpu.memory_space<vmem_shared>> -> memref<10016xf32, #tpu.memory_space<vmem_shared>>
      tpu.wait_indirect_dma semaphore(%arg12 : memref<!tpu.dma_semaphore, #tpu.memory_space<semaphore_mem>>) src(%arg9 : memref<128xf32, #tpu.memory_space<vmem>>) dst(%dma_wait3A_237 : memref<10016xf32, #tpu.memory_space<vmem_shared>>)
      %dma_wait3A_238 = arith.constant 0 : i32
      %dma_wait3A_239 = tpu.memref_slice %arg8[%add3A_118, %dma_wait3A_238] : memref<80x128xf32, #tpu.memory_space<vmem>> -> memref<1x128xf32, #tpu.memory_space<vmem>>
      %dma_wait3A_240 = tpu.memref_squeeze %dma_wait3A_239 : memref<1x128xf32, #tpu.memory_space<vmem>> -> memref<128xf32, #tpu.memory_space<vmem>>
      %dma_wait3A_241 = arith.constant 0 : i32
      %dma_wait3A_242 = tpu.memref_slice %arg7[%add3A_118, %dma_wait3A_241] : memref<80x128xi32, #tpu.memory_space<vmem>> -> memref<1x128xi32, #tpu.memory_space<vmem>>
      %dma_wait3A_243 = tpu.memref_squeeze %dma_wait3A_242 : memref<1x128xi32, #tpu.memory_space<vmem>> -> memref<128xi32, #tpu.memory_space<vmem>>
      %dma_wait3A_244 = arith.constant 0 : i32
      %dma_wait3A_245 = tpu.memref_slice %arg10[%dma_wait3A_244] : memref<10016xf32, #tpu.memory_space<vmem_shared>> -> memref<10016xf32, #tpu.memory_space<vmem_shared>>
      tpu.wait_indirect_dma semaphore(%arg12 : memref<!tpu.dma_semaphore, #tpu.memory_space<semaphore_mem>>) src(%dma_wait3A_240 : memref<128xf32, #tpu.memory_space<vmem>>) dst(%dma_wait3A_245 : memref<10016xf32, #tpu.memory_space<vmem_shared>>)
      %dma_wait3A_246 = arith.constant 0 : i32
      %dma_wait3A_247 = tpu.memref_slice %arg7[%add3A_118, %dma_wait3A_246] : memref<80x128xi32, #tpu.memory_space<vmem>> -> memref<1x128xi32, #tpu.memory_space<vmem>>
      %dma_wait3A_248 = tpu.memref_squeeze %dma_wait3A_247 : memref<1x128xi32, #tpu.memory_space<vmem>> -> memref<128xi32, #tpu.memory_space<vmem>>
      %dma_wait3A_249 = arith.constant 0 : i32
      %dma_wait3A_250 = tpu.memref_slice %arg11[%dma_wait3A_249] : memref<10016xf32, #tpu.memory_space<vmem_shared>> -> memref<10016xf32, #tpu.memory_space<vmem_shared>>
      tpu.wait_indirect_dma semaphore(%arg12 : memref<!tpu.dma_semaphore, #tpu.memory_space<semaphore_mem>>) src(%arg9 : memref<128xf32, #tpu.memory_space<vmem>>) dst(%dma_wait3A_250 : memref<10016xf32, #tpu.memory_space<vmem_shared>>)
      %dma_wait3A_251 = arith.constant 0 : i32
      %dma_wait3A_252 = tpu.memref_slice %arg8[%add3A_135, %dma_wait3A_251] : memref<80x128xf32, #tpu.memory_space<vmem>> -> memref<1x128xf32, #tpu.memory_space<vmem>>
      %dma_wait3A_253 = tpu.memref_squeeze %dma_wait3A_252 : memref<1x128xf32, #tpu.memory_space<vmem>> -> memref<128xf32, #tpu.memory_space<vmem>>
      %dma_wait3A_254 = arith.constant 0 : i32
      %dma_wait3A_255 = tpu.memref_slice %arg7[%add3A_135, %dma_wait3A_254] : memref<80x128xi32, #tpu.memory_space<vmem>> -> memref<1x128xi32, #tpu.memory_space<vmem>>
      %dma_wait3A_256 = tpu.memref_squeeze %dma_wait3A_255 : memref<1x128xi32, #tpu.memory_space<vmem>> -> memref<128xi32, #tpu.memory_space<vmem>>
      %dma_wait3A_257 = arith.constant 0 : i32
      %dma_wait3A_258 = tpu.memref_slice %arg10[%dma_wait3A_257] : memref<10016xf32, #tpu.memory_space<vmem_shared>> -> memref<10016xf32, #tpu.memory_space<vmem_shared>>
      tpu.wait_indirect_dma semaphore(%arg12 : memref<!tpu.dma_semaphore, #tpu.memory_space<semaphore_mem>>) src(%dma_wait3A_253 : memref<128xf32, #tpu.memory_space<vmem>>) dst(%dma_wait3A_258 : memref<10016xf32, #tpu.memory_space<vmem_shared>>)
      %dma_wait3A_259 = arith.constant 0 : i32
      %dma_wait3A_260 = tpu.memref_slice %arg7[%add3A_135, %dma_wait3A_259] : memref<80x128xi32, #tpu.memory_space<vmem>> -> memref<1x128xi32, #tpu.memory_space<vmem>>
      %dma_wait3A_261 = tpu.memref_squeeze %dma_wait3A_260 : memref<1x128xi32, #tpu.memory_space<vmem>> -> memref<128xi32, #tpu.memory_space<vmem>>
      %dma_wait3A_262 = arith.constant 0 : i32
      %dma_wait3A_263 = tpu.memref_slice %arg11[%dma_wait3A_262] : memref<10016xf32, #tpu.memory_space<vmem_shared>> -> memref<10016xf32, #tpu.memory_space<vmem_shared>>
      tpu.wait_indirect_dma semaphore(%arg12 : memref<!tpu.dma_semaphore, #tpu.memory_space<semaphore_mem>>) src(%arg9 : memref<128xf32, #tpu.memory_space<vmem>>) dst(%dma_wait3A_263 : memref<10016xf32, #tpu.memory_space<vmem_shared>>)
      %dma_wait3A_264 = arith.constant 0 : i32
      %dma_wait3A_265 = tpu.memref_slice %arg8[%add3A_152, %dma_wait3A_264] : memref<80x128xf32, #tpu.memory_space<vmem>> -> memref<1x128xf32, #tpu.memory_space<vmem>>
      %dma_wait3A_266 = tpu.memref_squeeze %dma_wait3A_265 : memref<1x128xf32, #tpu.memory_space<vmem>> -> memref<128xf32, #tpu.memory_space<vmem>>
      %dma_wait3A_267 = arith.constant 0 : i32
      %dma_wait3A_268 = tpu.memref_slice %arg7[%add3A_152, %dma_wait3A_267] : memref<80x128xi32, #tpu.memory_space<vmem>> -> memref<1x128xi32, #tpu.memory_space<vmem>>
      %dma_wait3A_269 = tpu.memref_squeeze %dma_wait3A_268 : memref<1x128xi32, #tpu.memory_space<vmem>> -> memref<128xi32, #tpu.memory_space<vmem>>
      %dma_wait3A_270 = arith.constant 0 : i32
      %dma_wait3A_271 = tpu.memref_slice %arg10[%dma_wait3A_270] : memref<10016xf32, #tpu.memory_space<vmem_shared>> -> memref<10016xf32, #tpu.memory_space<vmem_shared>>
      tpu.wait_indirect_dma semaphore(%arg12 : memref<!tpu.dma_semaphore, #tpu.memory_space<semaphore_mem>>) src(%dma_wait3A_266 : memref<128xf32, #tpu.memory_space<vmem>>) dst(%dma_wait3A_271 : memref<10016xf32, #tpu.memory_space<vmem_shared>>)
      %dma_wait3A_272 = arith.constant 0 : i32
      %dma_wait3A_273 = tpu.memref_slice %arg7[%add3A_152, %dma_wait3A_272] : memref<80x128xi32, #tpu.memory_space<vmem>> -> memref<1x128xi32, #tpu.memory_space<vmem>>
      %dma_wait3A_274 = tpu.memref_squeeze %dma_wait3A_273 : memref<1x128xi32, #tpu.memory_space<vmem>> -> memref<128xi32, #tpu.memory_space<vmem>>
      %dma_wait3A_275 = arith.constant 0 : i32
      %dma_wait3A_276 = tpu.memref_slice %arg11[%dma_wait3A_275] : memref<10016xf32, #tpu.memory_space<vmem_shared>> -> memref<10016xf32, #tpu.memory_space<vmem_shared>>
      tpu.wait_indirect_dma semaphore(%arg12 : memref<!tpu.dma_semaphore, #tpu.memory_space<semaphore_mem>>) src(%arg9 : memref<128xf32, #tpu.memory_space<vmem>>) dst(%dma_wait3A_276 : memref<10016xf32, #tpu.memory_space<vmem_shared>>)
      %dma_wait3A_277 = arith.constant 0 : i32
      %dma_wait3A_278 = tpu.memref_slice %arg8[%add3A_169, %dma_wait3A_277] : memref<80x128xf32, #tpu.memory_space<vmem>> -> memref<1x128xf32, #tpu.memory_space<vmem>>
      %dma_wait3A_279 = tpu.memref_squeeze %dma_wait3A_278 : memref<1x128xf32, #tpu.memory_space<vmem>> -> memref<128xf32, #tpu.memory_space<vmem>>
      %dma_wait3A_280 = arith.constant 0 : i32
      %dma_wait3A_281 = tpu.memref_slice %arg7[%add3A_169, %dma_wait3A_280] : memref<80x128xi32, #tpu.memory_space<vmem>> -> memref<1x128xi32, #tpu.memory_space<vmem>>
      %dma_wait3A_282 = tpu.memref_squeeze %dma_wait3A_281 : memref<1x128xi32, #tpu.memory_space<vmem>> -> memref<128xi32, #tpu.memory_space<vmem>>
      %dma_wait3A_283 = arith.constant 0 : i32
      %dma_wait3A_284 = tpu.memref_slice %arg10[%dma_wait3A_283] : memref<10016xf32, #tpu.memory_space<vmem_shared>> -> memref<10016xf32, #tpu.memory_space<vmem_shared>>
      tpu.wait_indirect_dma semaphore(%arg12 : memref<!tpu.dma_semaphore, #tpu.memory_space<semaphore_mem>>) src(%dma_wait3A_279 : memref<128xf32, #tpu.memory_space<vmem>>) dst(%dma_wait3A_284 : memref<10016xf32, #tpu.memory_space<vmem_shared>>)
      %dma_wait3A_285 = arith.constant 0 : i32
      %dma_wait3A_286 = tpu.memref_slice %arg7[%add3A_169, %dma_wait3A_285] : memref<80x128xi32, #tpu.memory_space<vmem>> -> memref<1x128xi32, #tpu.memory_space<vmem>>
      %dma_wait3A_287 = tpu.memref_squeeze %dma_wait3A_286 : memref<1x128xi32, #tpu.memory_space<vmem>> -> memref<128xi32, #tpu.memory_space<vmem>>
      %dma_wait3A_288 = arith.constant 0 : i32
      %dma_wait3A_289 = tpu.memref_slice %arg11[%dma_wait3A_288] : memref<10016xf32, #tpu.memory_space<vmem_shared>> -> memref<10016xf32, #tpu.memory_space<vmem_shared>>
      tpu.wait_indirect_dma semaphore(%arg12 : memref<!tpu.dma_semaphore, #tpu.memory_space<semaphore_mem>>) src(%arg9 : memref<128xf32, #tpu.memory_space<vmem>>) dst(%dma_wait3A_289 : memref<10016xf32, #tpu.memory_space<vmem_shared>>)
      %dma_wait3A_290 = arith.constant 0 : i32
      %dma_wait3A_291 = tpu.memref_slice %arg8[%add3A_186, %dma_wait3A_290] : memref<80x128xf32, #tpu.memory_space<vmem>> -> memref<1x128xf32, #tpu.memory_space<vmem>>
      %dma_wait3A_292 = tpu.memref_squeeze %dma_wait3A_291 : memref<1x128xf32, #tpu.memory_space<vmem>> -> memref<128xf32, #tpu.memory_space<vmem>>
      %dma_wait3A_293 = arith.constant 0 : i32
      %dma_wait3A_294 = tpu.memref_slice %arg7[%add3A_186, %dma_wait3A_293] : memref<80x128xi32, #tpu.memory_space<vmem>> -> memref<1x128xi32, #tpu.memory_space<vmem>>
      %dma_wait3A_295 = tpu.memref_squeeze %dma_wait3A_294 : memref<1x128xi32, #tpu.memory_space<vmem>> -> memref<128xi32, #tpu.memory_space<vmem>>
      %dma_wait3A_296 = arith.constant 0 : i32
      %dma_wait3A_297 = tpu.memref_slice %arg10[%dma_wait3A_296] : memref<10016xf32, #tpu.memory_space<vmem_shared>> -> memref<10016xf32, #tpu.memory_space<vmem_shared>>
      tpu.wait_indirect_dma semaphore(%arg12 : memref<!tpu.dma_semaphore, #tpu.memory_space<semaphore_mem>>) src(%dma_wait3A_292 : memref<128xf32, #tpu.memory_space<vmem>>) dst(%dma_wait3A_297 : memref<10016xf32, #tpu.memory_space<vmem_shared>>)
      %dma_wait3A_298 = arith.constant 0 : i32
      %dma_wait3A_299 = tpu.memref_slice %arg7[%add3A_186, %dma_wait3A_298] : memref<80x128xi32, #tpu.memory_space<vmem>> -> memref<1x128xi32, #tpu.memory_space<vmem>>
      %dma_wait3A_300 = tpu.memref_squeeze %dma_wait3A_299 : memref<1x128xi32, #tpu.memory_space<vmem>> -> memref<128xi32, #tpu.memory_space<vmem>>
      %dma_wait3A_301 = arith.constant 0 : i32
      %dma_wait3A_302 = tpu.memref_slice %arg11[%dma_wait3A_301] : memref<10016xf32, #tpu.memory_space<vmem_shared>> -> memref<10016xf32, #tpu.memory_space<vmem_shared>>
      tpu.wait_indirect_dma semaphore(%arg12 : memref<!tpu.dma_semaphore, #tpu.memory_space<semaphore_mem>>) src(%arg9 : memref<128xf32, #tpu.memory_space<vmem>>) dst(%dma_wait3A_302 : memref<10016xf32, #tpu.memory_space<vmem_shared>>)
    }
    %scan3A_57 = arith.constant 10 : i32
    %barrier3A_58 = arith.constant 0 : index
    tpu.barrier barrier_id(%barrier3A_58)
    %eq3A_59 = arith.constant 0 : i32
    %eq3A_60 = arith.cmpi eq, %arg1, %eq3A_59 : i32
    %convert_element_type3A_61 = arith.extui %eq3A_60 : i1 to i32
    %cond3A_62 = arith.constant 0 : i32
    %cond3A_63 = arith.cmpi ne, %convert_element_type3A_61, %cond3A_62 : i32
    scf.if %cond3A_63 {
      "tpu.region"() ({
        %run_scoped3A = tpu.sem_alloc : memref<!tpu.dma_semaphore, #tpu.memory_space<semaphore_mem>>
        %dma_start3A = arith.constant 0 : i32
        %dma_start3A_64 = tpu.memref_slice %arg5[%arg0, %dma_start3A] : memref<2x10016xf32, #tpu.memory_space<hbm>> -> memref<1x10016xf32, #tpu.memory_space<hbm>>
        %dma_start3A_65 = tpu.memref_squeeze %dma_start3A_64 : memref<1x10016xf32, #tpu.memory_space<hbm>> -> memref<10016xf32, #tpu.memory_space<hbm>>
        tpu.enqueue_dma source(%arg10 : memref<10016xf32, #tpu.memory_space<vmem_shared>>) target(%dma_start3A_65 : memref<10016xf32, #tpu.memory_space<hbm>>) target_semaphore(%run_scoped3A : memref<!tpu.dma_semaphore, #tpu.memory_space<semaphore_mem>>)
        %dma_wait3A = arith.constant 0 : i32
        %dma_wait3A_66 = tpu.memref_slice %arg5[%arg0, %dma_wait3A] : memref<2x10016xf32, #tpu.memory_space<hbm>> -> memref<1x10016xf32, #tpu.memory_space<hbm>>
        %dma_wait3A_67 = tpu.memref_squeeze %dma_wait3A_66 : memref<1x10016xf32, #tpu.memory_space<hbm>> -> memref<10016xf32, #tpu.memory_space<hbm>>
        tpu.wait_dma2 semaphore(%run_scoped3A : memref<!tpu.dma_semaphore, #tpu.memory_space<semaphore_mem>>) src(%arg10 : memref<10016xf32, #tpu.memory_space<vmem_shared>>) dst(%dma_wait3A_67 : memref<10016xf32, #tpu.memory_space<hbm>>)
        tpu.yield
      }) : () -> ()
      "tpu.region"() ({
        %run_scoped3A = tpu.sem_alloc : memref<!tpu.dma_semaphore, #tpu.memory_space<semaphore_mem>>
        %dma_start3A = arith.constant 0 : i32
        %dma_start3A_64 = tpu.memref_slice %arg6[%arg0, %dma_start3A] : memref<2x10016xf32, #tpu.memory_space<hbm>> -> memref<1x10016xf32, #tpu.memory_space<hbm>>
        %dma_start3A_65 = tpu.memref_squeeze %dma_start3A_64 : memref<1x10016xf32, #tpu.memory_space<hbm>> -> memref<10016xf32, #tpu.memory_space<hbm>>
        tpu.enqueue_dma source(%arg11 : memref<10016xf32, #tpu.memory_space<vmem_shared>>) target(%dma_start3A_65 : memref<10016xf32, #tpu.memory_space<hbm>>) target_semaphore(%run_scoped3A : memref<!tpu.dma_semaphore, #tpu.memory_space<semaphore_mem>>)
        %dma_wait3A = arith.constant 0 : i32
        %dma_wait3A_66 = tpu.memref_slice %arg6[%arg0, %dma_wait3A] : memref<2x10016xf32, #tpu.memory_space<hbm>> -> memref<1x10016xf32, #tpu.memory_space<hbm>>
        %dma_wait3A_67 = tpu.memref_squeeze %dma_wait3A_66 : memref<1x10016xf32, #tpu.memory_space<hbm>> -> memref<10016xf32, #tpu.memory_space<hbm>>
        tpu.wait_dma2 semaphore(%run_scoped3A : memref<!tpu.dma_semaphore, #tpu.memory_space<semaphore_mem>>) src(%arg11 : memref<10016xf32, #tpu.memory_space<vmem_shared>>) dst(%dma_wait3A_67 : memref<10016xf32, #tpu.memory_space<hbm>>)
        tpu.yield
      }) : () -> ()
    } else {
    }
    return
  }
}

module attributes {stable_mosaic.version = 14 : i64} {
  func.func @_edge_scalar_body(%arg0: i32, %arg1: memref<4x16x10000xf32, #tpu.memory_space<vmem>>, %arg2: memref<16x16xf32, #tpu.memory_space<vmem>>, %arg3: memref<16xf32, #tpu.memory_space<vmem>>, %arg4: memref<16x9xf32, #tpu.memory_space<vmem>>, %arg5: memref<9xf32, #tpu.memory_space<vmem>>, %arg6: memref<4x1x10000xi32, #tpu.memory_space<vmem>>, %arg7: memref<320x128xf32, #tpu.memory_space<vmem>>, %arg8: memref<320x128xi32, #tpu.memory_space<vmem>>) attributes {dimension_semantics = [#tpu.dimension_semantics<arbitrary>], iteration_bounds = array<i64: 8>, scalar_prefetch = 0 : i64, scratch_operands = 0 : i64, tpu.core_type = #tpu.core_type<tc>, window_params = [{transform_indices = @transform_0, window_bounds = array<i64: 4, 16, 10000>}, {pipeline_mode = #tpu.pipeline_mode<synchronous>, transform_indices = @transform_1, window_bounds = array<i64: 16, 16>}, {pipeline_mode = #tpu.pipeline_mode<synchronous>, transform_indices = @transform_2, window_bounds = array<i64: 16>}, {pipeline_mode = #tpu.pipeline_mode<synchronous>, transform_indices = @transform_3, window_bounds = array<i64: 16, 9>}, {pipeline_mode = #tpu.pipeline_mode<synchronous>, transform_indices = @transform_4, window_bounds = array<i64: 9>}, {transform_indices = @transform_5, window_bounds = array<i64: 4, 1, 10000>}, {transform_indices = @transform_6, window_bounds = array<i64: 320, 128>}, {transform_indices = @transform_7, window_bounds = array<i64: 320, 128>}]} {
    %get3A = arith.constant 0 : index
    %get3A_0 = arith.constant 0 : index
    %get3A_1 = vector.load %arg4[%get3A, %get3A_0] : memref<16x9xf32, #tpu.memory_space<vmem>>, vector<16x9xf32>
    %slice3A = vector.extract_strided_slice %get3A_1 {offsets = [0, 0], sizes = [16, 1], strides = [1, 1]} : vector<16x9xf32> to vector<16x1xf32>
    %squeeze3A = vector.shape_cast %slice3A : vector<16x1xf32> to vector<16xf32>
    %broadcast_in_dim3A = arith.constant 0.000000e+00 : f32
    %broadcast_in_dim3A_2 = vector.broadcast %broadcast_in_dim3A : f32 to vector<240xf32>
    %iota3A = tpu.iota {dimensions = array<i32: 1>} : vector<1x240xi32>
    %iota3A_3 = vector.shape_cast %iota3A : vector<1x240xi32> to vector<240xi32>
    %rem3A = arith.constant 16 : i32
    %rem3A_4 = vector.broadcast %rem3A : i32 to vector<240xi32>
    %rem3A_5 = arith.remsi %iota3A_3, %rem3A_4 : vector<240xi32>
    %add3A = arith.constant 10000 : i32
    %add3A_6 = vector.broadcast %add3A : i32 to vector<240xi32>
    %add3A_7 = arith.addi %add3A_6, %rem3A_5 : vector<240xi32>
    %get3A_8 = arith.constant 0 : index
    %get3A_9 = arith.constant 0 : index
    %get3A_10 = arith.constant 0 : index
    %get3A_11 = vector.load %arg1[%get3A_8, %get3A_9, %get3A_10] : memref<4x16x10000xf32, #tpu.memory_space<vmem>>, vector<1x16x10000xf32>
    %get3A_12 = vector.shape_cast %get3A_11 : vector<1x16x10000xf32> to vector<16x10000xf32>
    %get3A_13 = arith.constant 0 : index
    %get3A_14 = arith.constant 0 : index
    %get3A_15 = vector.load %arg2[%get3A_13, %get3A_14] : memref<16x16xf32, #tpu.memory_space<vmem>>, vector<16x16xf32>
    %dot_general3A = arith.constant dense<0.000000e+00> : vector<16x10000xf32>
    %dot_general3A_16 = tpu.matmul %get3A_15, %get3A_12, %dot_general3A {dimension_numbers = #tpu.dot_dimension_numbers<[0], [0], [1], [1], [0, 1, 1, 1], [], []>, transpose_lhs_hint = false} : vector<16x16xf32>, vector<16x10000xf32>, vector<16x10000xf32> -> vector<16x10000xf32>
    %get3A_17 = arith.constant 0 : index
    %get3A_18 = vector.load %arg3[%get3A_17] : memref<16xf32, #tpu.memory_space<vmem>>, vector<16xf32>
    %broadcast_in_dim3A_19 = vector.shape_cast %get3A_18 : vector<16xf32> to vector<16x1xf32>
    %add3A_20 = vector.broadcast %broadcast_in_dim3A_19 : vector<16x1xf32> to vector<16x10000xf32>
    %add3A_21 = arith.addf %dot_general3A_16, %add3A_20 : vector<16x10000xf32>
    %max3A = arith.constant 0.000000e+00 : f32
    %max3A_22 = vector.broadcast %max3A : f32 to vector<16x10000xf32>
    %max3A_23 = arith.maximumf %add3A_21, %max3A_22 : vector<16x10000xf32>
    %abs3A = math.absf %add3A_21 : vector<16x10000xf32>
    %neg3A = arith.constant 0.000000e+00 : f32
    %neg3A_24 = vector.broadcast %neg3A : f32 to vector<16x10000xf32>
    %neg3A_25 = arith.subf %neg3A_24, %abs3A : vector<16x10000xf32>
    %exp3A = math.exp %neg3A_25 : vector<16x10000xf32>
    %add3A_26 = arith.constant 1.000000e+00 : f32
    %add3A_27 = vector.broadcast %add3A_26 : f32 to vector<16x10000xf32>
    %add3A_28 = arith.addf %add3A_27, %exp3A : vector<16x10000xf32>
    %log3A = math.log %add3A_28 : vector<16x10000xf32>
    %add3A_29 = arith.addf %max3A_23, %log3A : vector<16x10000xf32>
    %reshape3A = vector.shape_cast %squeeze3A : vector<16xf32> to vector<16x1xf32>
    %dot_general3A_30 = arith.constant dense<0.000000e+00> : vector<1x10000xf32>
    %dot_general3A_31 = tpu.matmul %reshape3A, %add3A_29, %dot_general3A_30 {dimension_numbers = #tpu.dot_dimension_numbers<[0], [0], [1], [1], [0, 1, 1, 1], [], []>, transpose_lhs_hint = false} : vector<16x1xf32>, vector<16x10000xf32>, vector<1x10000xf32> -> vector<1x10000xf32>
    %squeeze3A_32 = vector.shape_cast %dot_general3A_31 : vector<1x10000xf32> to vector<10000xf32>
    %get3A_33 = arith.constant 0 : index
    %get3A_34 = vector.load %arg5[%get3A_33] : memref<9xf32, #tpu.memory_space<vmem>>, vector<1xf32>
    %get3A_35 = vector.extract %get3A_34[0] : f32 from vector<1xf32>
    %add3A_36 = vector.broadcast %get3A_35 : f32 to vector<10000xf32>
    %add3A_37 = arith.addf %squeeze3A_32, %add3A_36 : vector<10000xf32>
    %get3A_38 = arith.constant 0 : index
    %get3A_39 = arith.constant 0 : index
    %get3A_40 = arith.constant 0 : index
    %get3A_41 = vector.load %arg6[%get3A_38, %get3A_39, %get3A_40] : memref<4x1x10000xi32, #tpu.memory_space<vmem>>, vector<1x1x10000xi32>
    %get3A_42 = vector.shape_cast %get3A_41 : vector<1x1x10000xi32> to vector<10000xi32>
    %get3A_43 = arith.constant 1 : index
    %get3A_44 = arith.constant 0 : index
    %get3A_45 = arith.constant 0 : index
    %get3A_46 = vector.load %arg1[%get3A_43, %get3A_44, %get3A_45] : memref<4x16x10000xf32, #tpu.memory_space<vmem>>, vector<1x16x10000xf32>
    %get3A_47 = vector.shape_cast %get3A_46 : vector<1x16x10000xf32> to vector<16x10000xf32>
    %get3A_48 = arith.constant 0 : index
    %get3A_49 = arith.constant 0 : index
    %get3A_50 = vector.load %arg2[%get3A_48, %get3A_49] : memref<16x16xf32, #tpu.memory_space<vmem>>, vector<16x16xf32>
    %dot_general3A_51 = arith.constant dense<0.000000e+00> : vector<16x10000xf32>
    %dot_general3A_52 = tpu.matmul %get3A_50, %get3A_47, %dot_general3A_51 {dimension_numbers = #tpu.dot_dimension_numbers<[0], [0], [1], [1], [0, 1, 1, 1], [], []>, transpose_lhs_hint = false} : vector<16x16xf32>, vector<16x10000xf32>, vector<16x10000xf32> -> vector<16x10000xf32>
    %get3A_53 = arith.constant 0 : index
    %get3A_54 = vector.load %arg3[%get3A_53] : memref<16xf32, #tpu.memory_space<vmem>>, vector<16xf32>
    %broadcast_in_dim3A_55 = vector.shape_cast %get3A_54 : vector<16xf32> to vector<16x1xf32>
    %add3A_56 = vector.broadcast %broadcast_in_dim3A_55 : vector<16x1xf32> to vector<16x10000xf32>
    %add3A_57 = arith.addf %dot_general3A_52, %add3A_56 : vector<16x10000xf32>
    %max3A_58 = arith.constant 0.000000e+00 : f32
    %max3A_59 = vector.broadcast %max3A_58 : f32 to vector<16x10000xf32>
    %max3A_60 = arith.maximumf %add3A_57, %max3A_59 : vector<16x10000xf32>
    %abs3A_61 = math.absf %add3A_57 : vector<16x10000xf32>
    %neg3A_62 = arith.constant 0.000000e+00 : f32
    %neg3A_63 = vector.broadcast %neg3A_62 : f32 to vector<16x10000xf32>
    %neg3A_64 = arith.subf %neg3A_63, %abs3A_61 : vector<16x10000xf32>
    %exp3A_65 = math.exp %neg3A_64 : vector<16x10000xf32>
    %add3A_66 = arith.constant 1.000000e+00 : f32
    %add3A_67 = vector.broadcast %add3A_66 : f32 to vector<16x10000xf32>
    %add3A_68 = arith.addf %add3A_67, %exp3A_65 : vector<16x10000xf32>
    %log3A_69 = math.log %add3A_68 : vector<16x10000xf32>
    %add3A_70 = arith.addf %max3A_60, %log3A_69 : vector<16x10000xf32>
    %reshape3A_71 = vector.shape_cast %squeeze3A : vector<16xf32> to vector<16x1xf32>
    %dot_general3A_72 = arith.constant dense<0.000000e+00> : vector<1x10000xf32>
    %dot_general3A_73 = tpu.matmul %reshape3A_71, %add3A_70, %dot_general3A_72 {dimension_numbers = #tpu.dot_dimension_numbers<[0], [0], [1], [1], [0, 1, 1, 1], [], []>, transpose_lhs_hint = false} : vector<16x1xf32>, vector<16x10000xf32>, vector<1x10000xf32> -> vector<1x10000xf32>
    %squeeze3A_74 = vector.shape_cast %dot_general3A_73 : vector<1x10000xf32> to vector<10000xf32>
    %get3A_75 = arith.constant 0 : index
    %get3A_76 = vector.load %arg5[%get3A_75] : memref<9xf32, #tpu.memory_space<vmem>>, vector<1xf32>
    %get3A_77 = vector.extract %get3A_76[0] : f32 from vector<1xf32>
    %add3A_78 = vector.broadcast %get3A_77 : f32 to vector<10000xf32>
    %add3A_79 = arith.addf %squeeze3A_74, %add3A_78 : vector<10000xf32>
    %get3A_80 = arith.constant 1 : index
    %get3A_81 = arith.constant 0 : index
    %get3A_82 = arith.constant 0 : index
    %get3A_83 = vector.load %arg6[%get3A_80, %get3A_81, %get3A_82] : memref<4x1x10000xi32, #tpu.memory_space<vmem>>, vector<1x1x10000xi32>
    %get3A_84 = vector.shape_cast %get3A_83 : vector<1x1x10000xi32> to vector<10000xi32>
    %get3A_85 = arith.constant 2 : index
    %get3A_86 = arith.constant 0 : index
    %get3A_87 = arith.constant 0 : index
    %get3A_88 = vector.load %arg1[%get3A_85, %get3A_86, %get3A_87] : memref<4x16x10000xf32, #tpu.memory_space<vmem>>, vector<1x16x10000xf32>
    %get3A_89 = vector.shape_cast %get3A_88 : vector<1x16x10000xf32> to vector<16x10000xf32>
    %get3A_90 = arith.constant 0 : index
    %get3A_91 = arith.constant 0 : index
    %get3A_92 = vector.load %arg2[%get3A_90, %get3A_91] : memref<16x16xf32, #tpu.memory_space<vmem>>, vector<16x16xf32>
    %dot_general3A_93 = arith.constant dense<0.000000e+00> : vector<16x10000xf32>
    %dot_general3A_94 = tpu.matmul %get3A_92, %get3A_89, %dot_general3A_93 {dimension_numbers = #tpu.dot_dimension_numbers<[0], [0], [1], [1], [0, 1, 1, 1], [], []>, transpose_lhs_hint = false} : vector<16x16xf32>, vector<16x10000xf32>, vector<16x10000xf32> -> vector<16x10000xf32>
    %get3A_95 = arith.constant 0 : index
    %get3A_96 = vector.load %arg3[%get3A_95] : memref<16xf32, #tpu.memory_space<vmem>>, vector<16xf32>
    %broadcast_in_dim3A_97 = vector.shape_cast %get3A_96 : vector<16xf32> to vector<16x1xf32>
    %add3A_98 = vector.broadcast %broadcast_in_dim3A_97 : vector<16x1xf32> to vector<16x10000xf32>
    %add3A_99 = arith.addf %dot_general3A_94, %add3A_98 : vector<16x10000xf32>
    %max3A_100 = arith.constant 0.000000e+00 : f32
    %max3A_101 = vector.broadcast %max3A_100 : f32 to vector<16x10000xf32>
    %max3A_102 = arith.maximumf %add3A_99, %max3A_101 : vector<16x10000xf32>
    %abs3A_103 = math.absf %add3A_99 : vector<16x10000xf32>
    %neg3A_104 = arith.constant 0.000000e+00 : f32
    %neg3A_105 = vector.broadcast %neg3A_104 : f32 to vector<16x10000xf32>
    %neg3A_106 = arith.subf %neg3A_105, %abs3A_103 : vector<16x10000xf32>
    %exp3A_107 = math.exp %neg3A_106 : vector<16x10000xf32>
    %add3A_108 = arith.constant 1.000000e+00 : f32
    %add3A_109 = vector.broadcast %add3A_108 : f32 to vector<16x10000xf32>
    %add3A_110 = arith.addf %add3A_109, %exp3A_107 : vector<16x10000xf32>
    %log3A_111 = math.log %add3A_110 : vector<16x10000xf32>
    %add3A_112 = arith.addf %max3A_102, %log3A_111 : vector<16x10000xf32>
    %reshape3A_113 = vector.shape_cast %squeeze3A : vector<16xf32> to vector<16x1xf32>
    %dot_general3A_114 = arith.constant dense<0.000000e+00> : vector<1x10000xf32>
    %dot_general3A_115 = tpu.matmul %reshape3A_113, %add3A_112, %dot_general3A_114 {dimension_numbers = #tpu.dot_dimension_numbers<[0], [0], [1], [1], [0, 1, 1, 1], [], []>, transpose_lhs_hint = false} : vector<16x1xf32>, vector<16x10000xf32>, vector<1x10000xf32> -> vector<1x10000xf32>
    %squeeze3A_116 = vector.shape_cast %dot_general3A_115 : vector<1x10000xf32> to vector<10000xf32>
    %get3A_117 = arith.constant 0 : index
    %get3A_118 = vector.load %arg5[%get3A_117] : memref<9xf32, #tpu.memory_space<vmem>>, vector<1xf32>
    %get3A_119 = vector.extract %get3A_118[0] : f32 from vector<1xf32>
    %add3A_120 = vector.broadcast %get3A_119 : f32 to vector<10000xf32>
    %add3A_121 = arith.addf %squeeze3A_116, %add3A_120 : vector<10000xf32>
    %get3A_122 = arith.constant 2 : index
    %get3A_123 = arith.constant 0 : index
    %get3A_124 = arith.constant 0 : index
    %get3A_125 = vector.load %arg6[%get3A_122, %get3A_123, %get3A_124] : memref<4x1x10000xi32, #tpu.memory_space<vmem>>, vector<1x1x10000xi32>
    %get3A_126 = vector.shape_cast %get3A_125 : vector<1x1x10000xi32> to vector<10000xi32>
    %get3A_127 = arith.constant 3 : index
    %get3A_128 = arith.constant 0 : index
    %get3A_129 = arith.constant 0 : index
    %get3A_130 = vector.load %arg1[%get3A_127, %get3A_128, %get3A_129] : memref<4x16x10000xf32, #tpu.memory_space<vmem>>, vector<1x16x10000xf32>
    %get3A_131 = vector.shape_cast %get3A_130 : vector<1x16x10000xf32> to vector<16x10000xf32>
    %get3A_132 = arith.constant 0 : index
    %get3A_133 = arith.constant 0 : index
    %get3A_134 = vector.load %arg2[%get3A_132, %get3A_133] : memref<16x16xf32, #tpu.memory_space<vmem>>, vector<16x16xf32>
    %dot_general3A_135 = arith.constant dense<0.000000e+00> : vector<16x10000xf32>
    %dot_general3A_136 = tpu.matmul %get3A_134, %get3A_131, %dot_general3A_135 {dimension_numbers = #tpu.dot_dimension_numbers<[0], [0], [1], [1], [0, 1, 1, 1], [], []>, transpose_lhs_hint = false} : vector<16x16xf32>, vector<16x10000xf32>, vector<16x10000xf32> -> vector<16x10000xf32>
    %get3A_137 = arith.constant 0 : index
    %get3A_138 = vector.load %arg3[%get3A_137] : memref<16xf32, #tpu.memory_space<vmem>>, vector<16xf32>
    %broadcast_in_dim3A_139 = vector.shape_cast %get3A_138 : vector<16xf32> to vector<16x1xf32>
    %add3A_140 = vector.broadcast %broadcast_in_dim3A_139 : vector<16x1xf32> to vector<16x10000xf32>
    %add3A_141 = arith.addf %dot_general3A_136, %add3A_140 : vector<16x10000xf32>
    %max3A_142 = arith.constant 0.000000e+00 : f32
    %max3A_143 = vector.broadcast %max3A_142 : f32 to vector<16x10000xf32>
    %max3A_144 = arith.maximumf %add3A_141, %max3A_143 : vector<16x10000xf32>
    %abs3A_145 = math.absf %add3A_141 : vector<16x10000xf32>
    %neg3A_146 = arith.constant 0.000000e+00 : f32
    %neg3A_147 = vector.broadcast %neg3A_146 : f32 to vector<16x10000xf32>
    %neg3A_148 = arith.subf %neg3A_147, %abs3A_145 : vector<16x10000xf32>
    %exp3A_149 = math.exp %neg3A_148 : vector<16x10000xf32>
    %add3A_150 = arith.constant 1.000000e+00 : f32
    %add3A_151 = vector.broadcast %add3A_150 : f32 to vector<16x10000xf32>
    %add3A_152 = arith.addf %add3A_151, %exp3A_149 : vector<16x10000xf32>
    %log3A_153 = math.log %add3A_152 : vector<16x10000xf32>
    %add3A_154 = arith.addf %max3A_144, %log3A_153 : vector<16x10000xf32>
    %reshape3A_155 = vector.shape_cast %squeeze3A : vector<16xf32> to vector<16x1xf32>
    %dot_general3A_156 = arith.constant dense<0.000000e+00> : vector<1x10000xf32>
    %dot_general3A_157 = tpu.matmul %reshape3A_155, %add3A_154, %dot_general3A_156 {dimension_numbers = #tpu.dot_dimension_numbers<[0], [0], [1], [1], [0, 1, 1, 1], [], []>, transpose_lhs_hint = false} : vector<16x1xf32>, vector<16x10000xf32>, vector<1x10000xf32> -> vector<1x10000xf32>
    %squeeze3A_158 = vector.shape_cast %dot_general3A_157 : vector<1x10000xf32> to vector<10000xf32>
    %get3A_159 = arith.constant 0 : index
    %get3A_160 = vector.load %arg5[%get3A_159] : memref<9xf32, #tpu.memory_space<vmem>>, vector<1xf32>
    %get3A_161 = vector.extract %get3A_160[0] : f32 from vector<1xf32>
    %add3A_162 = vector.broadcast %get3A_161 : f32 to vector<10000xf32>
    %add3A_163 = arith.addf %squeeze3A_158, %add3A_162 : vector<10000xf32>
    %get3A_164 = arith.constant 3 : index
    %get3A_165 = arith.constant 0 : index
    %get3A_166 = arith.constant 0 : index
    %get3A_167 = vector.load %arg6[%get3A_164, %get3A_165, %get3A_166] : memref<4x1x10000xi32, #tpu.memory_space<vmem>>, vector<1x1x10000xi32>
    %get3A_168 = vector.shape_cast %get3A_167 : vector<1x1x10000xi32> to vector<10000xi32>
    %concatenate3A = tpu.concatenate %add3A_37, %broadcast_in_dim3A_2, %add3A_79, %broadcast_in_dim3A_2, %add3A_121, %broadcast_in_dim3A_2, %add3A_163, %broadcast_in_dim3A_2 in 0 : vector<10000xf32>, vector<240xf32>, vector<10000xf32>, vector<240xf32>, vector<10000xf32>, vector<240xf32>, vector<10000xf32>, vector<240xf32> -> vector<40960xf32>
    %reshape3A_169 = vector.shape_cast %concatenate3A : vector<40960xf32> to vector<320x128xf32>
    %swap3A = arith.constant 0 : index
    %swap3A_170 = arith.constant 0 : index
    %swap3A_171 = vector.load %arg7[%swap3A, %swap3A_170] : memref<320x128xf32, #tpu.memory_space<vmem>>, vector<320x128xf32>
    tpu.vector_store %arg7[%swap3A, %swap3A_170], %reshape3A_169 {strides = array<i32>} : memref<320x128xf32, #tpu.memory_space<vmem>>, vector<320x128xf32>,
    %concatenate3A_172 = tpu.concatenate %get3A_42, %add3A_7, %get3A_84, %add3A_7, %get3A_126, %add3A_7, %get3A_168, %add3A_7 in 0 : vector<10000xi32>, vector<240xi32>, vector<10000xi32>, vector<240xi32>, vector<10000xi32>, vector<240xi32>, vector<10000xi32>, vector<240xi32> -> vector<40960xi32>
    %reshape3A_173 = vector.shape_cast %concatenate3A_172 : vector<40960xi32> to vector<320x128xi32>
    %swap3A_174 = arith.constant 0 : index
    %swap3A_175 = arith.constant 0 : index
    %swap3A_176 = vector.load %arg8[%swap3A_174, %swap3A_175] : memref<320x128xi32, #tpu.memory_space<vmem>>, vector<320x128xi32>
    tpu.vector_store %arg8[%swap3A_174, %swap3A_175], %reshape3A_173 {strides = array<i32>} : memref<320x128xi32, #tpu.memory_space<vmem>>, vector<320x128xi32>,
    return
  }
  func.func @transform_0(%arg0: i32) -> (i32, i32, i32) {
    %c0_i32 = arith.constant 0 : i32
    %c0_i32_0 = arith.constant 0 : i32
    %c0_i32_1 = arith.constant 0 : i32
    return %arg0, %c0_i32, %c0_i32_0 : i32, i32, i32
  }
  func.func @transform_1(%arg0: i32) -> (i32, i32) {
    %c0_i32 = arith.constant 0 : i32
    %c0_i32_0 = arith.constant 0 : i32
    %c0_i32_1 = arith.constant 0 : i32
    return %c0_i32, %c0_i32_0 : i32, i32
  }
  func.func @transform_2(%arg0: i32) -> i32 {
    %c0_i32 = arith.constant 0 : i32
    %c0_i32_0 = arith.constant 0 : i32
    return %c0_i32 : i32
  }
  func.func @transform_3(%arg0: i32) -> (i32, i32) {
    %c0_i32 = arith.constant 0 : i32
    %c0_i32_0 = arith.constant 0 : i32
    %c0_i32_1 = arith.constant 0 : i32
    return %c0_i32, %c0_i32_0 : i32, i32
  }
  func.func @transform_4(%arg0: i32) -> i32 {
    %c0_i32 = arith.constant 0 : i32
    %c0_i32_0 = arith.constant 0 : i32
    return %c0_i32 : i32
  }
  func.func @transform_5(%arg0: i32) -> (i32, i32, i32) {
    %c0_i32 = arith.constant 0 : i32
    %c0_i32_0 = arith.constant 0 : i32
    %c0_i32_1 = arith.constant 0 : i32
    return %arg0, %c0_i32, %c0_i32_0 : i32, i32, i32
  }
  func.func @transform_6(%arg0: i32) -> (i32, i32) {
    %c0_i32 = arith.constant 0 : i32
    %c0_i32_0 = arith.constant 0 : i32
    return %arg0, %c0_i32 : i32, i32
  }
  func.func @transform_7(%arg0: i32) -> (i32, i32) {
    %c0_i32 = arith.constant 0 : i32
    %c0_i32_0 = arith.constant 0 : i32
    return %arg0, %c0_i32 : i32, i32
  }
}

module attributes {stable_mosaic.version = 14 : i64} {
  func.func @_scale_matmul_body(%arg0: i32, %arg1: memref<1024x128xf32, #tpu.memory_space<vmem>>, %arg2: memref<128x128xf32, #tpu.memory_space<vmem>>, %arg3: memref<2x1024xf32, #tpu.memory_space<vmem>>, %arg4: memref<2x1024xf32, #tpu.memory_space<vmem>>, %arg5: memref<1024x128xf32, #tpu.memory_space<vmem>>) attributes {dimension_semantics = [#tpu.dimension_semantics<arbitrary>], iteration_bounds = array<i64: 10>, scalar_prefetch = 0 : i64, scratch_operands = 0 : i64, tpu.core_type = #tpu.core_type<tc>, window_params = [{transform_indices = @transform_0, window_bounds = array<i64: 1024, 128>}, {pipeline_mode = #tpu.pipeline_mode<synchronous>, transform_indices = @transform_1, window_bounds = array<i64: 128, 128>}, {transform_indices = @transform_2, window_bounds = array<i64: 2, 1024>}, {transform_indices = @transform_3, window_bounds = array<i64: 2, 1024>}, {transform_indices = @transform_4, window_bounds = array<i64: 1024, 128>}]} {
    %get3A = arith.constant 0 : index
    %get3A_0 = arith.constant 0 : index
    %get3A_1 = vector.load %arg3[%get3A, %get3A_0] : memref<2x1024xf32, #tpu.memory_space<vmem>>, vector<1x1024xf32>
    %get3A_2 = vector.shape_cast %get3A_1 : vector<1x1024xf32> to vector<1024xf32>
    %get3A_3 = arith.constant 1 : index
    %get3A_4 = arith.constant 0 : index
    %get3A_5 = vector.load %arg3[%get3A_3, %get3A_4] : memref<2x1024xf32, #tpu.memory_space<vmem>>, vector<1x1024xf32>
    %get3A_6 = vector.shape_cast %get3A_5 : vector<1x1024xf32> to vector<1024xf32>
    %add3A = arith.addf %get3A_2, %get3A_6 : vector<1024xf32>
    %get3A_7 = arith.constant 0 : index
    %get3A_8 = arith.constant 0 : index
    %get3A_9 = vector.load %arg4[%get3A_7, %get3A_8] : memref<2x1024xf32, #tpu.memory_space<vmem>>, vector<1x1024xf32>
    %get3A_10 = vector.shape_cast %get3A_9 : vector<1x1024xf32> to vector<1024xf32>
    %get3A_11 = arith.constant 1 : index
    %get3A_12 = arith.constant 0 : index
    %get3A_13 = vector.load %arg4[%get3A_11, %get3A_12] : memref<2x1024xf32, #tpu.memory_space<vmem>>, vector<1x1024xf32>
    %get3A_14 = vector.shape_cast %get3A_13 : vector<1x1024xf32> to vector<1024xf32>
    %add3A_15 = arith.addf %get3A_10, %get3A_14 : vector<1024xf32>
    %max3A = arith.constant 1.000000e+00 : f32
    %max3A_16 = vector.broadcast %max3A : f32 to vector<1024xf32>
    %max3A_17 = arith.maximumf %add3A_15, %max3A_16 : vector<1024xf32>
    %div3A = arith.divf %add3A, %max3A_17 : vector<1024xf32>
    %mul3A = arith.constant 0.0883883461 : f32
    %mul3A_18 = vector.broadcast %mul3A : f32 to vector<1024xf32>
    %mul3A_19 = arith.mulf %div3A, %mul3A_18 : vector<1024xf32>
    %get3A_20 = arith.constant 0 : index
    %get3A_21 = arith.constant 0 : index
    %get3A_22 = vector.load %arg1[%get3A_20, %get3A_21] : memref<1024x128xf32, #tpu.memory_space<vmem>>, vector<1024x128xf32>
    %get3A_23 = arith.constant 0 : index
    %get3A_24 = arith.constant 0 : index
    %get3A_25 = vector.load %arg2[%get3A_23, %get3A_24] : memref<128x128xf32, #tpu.memory_space<vmem>>, vector<128x128xf32>
    %dot_general3A = arith.constant dense<0.000000e+00> : vector<1024x128xf32>
    %dot_general3A_26 = tpu.matmul %get3A_22, %get3A_25, %dot_general3A {dimension_numbers = #tpu.dot_dimension_numbers<[1], [0], [0], [1], [0, 0, 1, 1], [], []>, transpose_lhs_hint = false} : vector<1024x128xf32>, vector<128x128xf32>, vector<1024x128xf32> -> vector<1024x128xf32>
    %broadcast_in_dim3A = vector.shape_cast %mul3A_19 : vector<1024xf32> to vector<1024x1xf32>
    %mul3A_27 = vector.broadcast %broadcast_in_dim3A : vector<1024x1xf32> to vector<1024x128xf32>
    %mul3A_28 = arith.mulf %dot_general3A_26, %mul3A_27 : vector<1024x128xf32>
    %swap3A = arith.constant 0 : index
    %swap3A_29 = arith.constant 0 : index
    %swap3A_30 = vector.load %arg5[%swap3A, %swap3A_29] : memref<1024x128xf32, #tpu.memory_space<vmem>>, vector<1024x128xf32>
    tpu.vector_store %arg5[%swap3A, %swap3A_29], %mul3A_28 {strides = array<i32>} : memref<1024x128xf32, #tpu.memory_space<vmem>>, vector<1024x128xf32>,
    return
  }
  func.func @transform_0(%arg0: i32) -> (i32, i32) {
    %c0_i32 = arith.constant 0 : i32
    %c0_i32_0 = arith.constant 0 : i32
    return %arg0, %c0_i32 : i32, i32
  }
  func.func @transform_1(%arg0: i32) -> (i32, i32) {
    %c0_i32 = arith.constant 0 : i32
    %c0_i32_0 = arith.constant 0 : i32
    %c0_i32_1 = arith.constant 0 : i32
    return %c0_i32, %c0_i32_0 : i32, i32
  }
  func.func @transform_2(%arg0: i32) -> (i32, i32) {
    %c0_i32 = arith.constant 0 : i32
    %c0_i32_0 = arith.constant 0 : i32
    return %c0_i32, %arg0 : i32, i32
  }
  func.func @transform_3(%arg0: i32) -> (i32, i32) {
    %c0_i32 = arith.constant 0 : i32
    %c0_i32_0 = arith.constant 0 : i32
    return %c0_i32, %arg0 : i32, i32
  }
  func.func @transform_4(%arg0: i32) -> (i32, i32) {
    %c0_i32 = arith.constant 0 : i32
    %c0_i32_0 = arith.constant 0 : i32
    return %arg0, %c0_i32 : i32, i32
  }
}

</mosaic_0001>

<sc_bundles>
// kernel: kernel.5.cloned.1.call-start
scs
__scs_entry_jumppad:
0x0: {  	(pc) =	sbr.rel $0x88, $3  }
0x1: {  	(tag) =	ssettag $0x0;
	lr =	simm.s32 $0x1  }
0x2: {  	[smem:$0x3F99] =	sst lr;
	_ =	strace $0xD0000000  }
0x3: {  	_ = 	snop  }
0x4: {  	_ = 	snop  }
0x5: {  	_ = 	snop  }
0x6: {  	_ = 	snop  }
0x7: {  	_ = 	snop  }
__scs_overlays_trampoline_lowered:
0x8: {  	[smem:$0x3FA8] =	sst s0  }
0x9: {  	[smem:$0x3FA9] =	sst s1  }
0xa: {  	[smem:$0x3FAA] =	sst s2  }
0xb: {  	[smem:$0x3FAB] =	sst s3  }
0xc: {  	[smem:$0x3FAC] =	sst s4  }
0xd: {  	[smem:$0x3FAD] =	sst s5  }
0xe: {  	[smem:$0x3FAE] =	sst s6  }
0xf: {  	[smem:$0x3FAF] =	sst s7  }
0x10: {  	[smem:$0x3FB0] =	sst s8  }
0x11: {  	[smem:$0x3FB1] =	sst s9;
	s0 =	simm.s32 @!p0 $0x0  }
0x12: {  	s1 =	sld [smem:$0x3F97];
	s0 =	simm.s32 @p0 $0x1  }
0x13: {  	[smem:$0x3FB2] =	sst s0;
	s0 =	simm.s32 @!p1 $0x0  }
0x14: {  	s2 =	sld [smem:$0x3F96];
	s0 =	simm.s32 @p1 $0x1  }
0x15: {  	[smem:$0x3FB3] =	sst s0;
	s0 =	simm.s32 @!p2 $0x0  }
0x16: {  	s3 =	sld [smem:$0x3FDB];
	s0 =	simm.s32 @p2 $0x1  }
0x17: {  	s4 =	simm.s32 $0x1BF5;
	[smem:$0x3FB5] =	sst s0  }
0x18: {  	s0 =	sld [smem:$0x3F98];
	_ =	swait.ge [sflag:s4], $0x0  }
0x19: {  	s7 =	sld [smem:$0x3F99]  }
0x1a: {  	s8 =	sadd.s32 $0xFFFFE003, lr  }
0x1b: {  	s9 =	sadd.s32 $0xFFFFFEF7, lr;
	s5 =	simm.s32 $0xFFFFFFFF;
	p2 =	slt.u32 s8, $0xFFFFF086  }
0x1c: {  	p1 =	slt.u32 s9, $0xF7A;
	s5 =	simm.s32 @!p2 $0x0  }
0x1d: {  	s5 =	simm.s32 @p1 $0x1;
	p0 =	seq.s32 s7, s2  }
0x1e: {  	s7 =	smul.u32 @!p0 $0xF7A, s2;
	p2 =	seq.s32 @!p0 s5, $0x0  }
0x1f: {  	s9 =	smul.u32 $0xF7A, s1;
	s8 =	simm.s32 @!p0 $0x1BF5;
	p2 =	por !p2, p0  }
0x20: {  	[sflag:s8] =	ssyncset.s32 @!p0 $0xFFFFF086;
	s6 =	sadd.s32 @!p0 s3, s7;
	s7 =	simm.s32 @!p0 $0x108  }
0x21: {  	s3 =	sadd.s32 s3, s9;
	s6 =	sadd.s32 @!p0 $0x88, s6;
	s7 =	simm.s32 @p2 $0x1082  }
0x22: {  	[simem:s7], [sflag:s8] =	dma.local @!p0 [hbm:s6], $0xF7A  }
0x23: {  	s9 =	sor.u32 $0xD0000000, s2;
	s6 =	simm.s32 $0x108;
	_ =	swait.ge @!p0 [sflag:s8], $0x0  }
0x24: {  	s3 =	sadd.s32 $0x88, s3;
	s6 =	simm.s32 @!p1 $0x1082;
	[sflag:s4] =	ssyncset.s32 $0xFFFFF086  }
0x25: {  	[simem:s6], [sflag:s4] =	dma.local [hbm:s3], $0xF7A  }
0x26: {  	[smem:$0x3F99] =	sst s1;
	(tag) =	ssettag s2;
	_ =	strace s9  }
0x27: {  	s1 =	sld [smem:$0x3FA9]  }
0x28: {  	s2 =	sld [smem:$0x3FAA]  }
0x29: {  	s4 =	sld [smem:$0x3FAC]  }
0x2a: {  	p0 =	seq.s32 s5, $0x0;
	s5 =	sld [smem:$0x3FAD]  }
0x2b: {  	s6 =	sld [smem:$0x3FAE]  }
0x2c: {  	s7 =	sld [smem:$0x3FAF]  }
0x2d: {  	s3 =	simm.s32 $0x108;
	s8 =	sld [smem:$0x3FB0]  }
0x2e: {  	s3 =	simm.s32 @!p0 $0x1082;
	s9 =	sld [smem:$0x3FB1]  }
0x2f: {  	lr =	sadd.s32 s0, s3;
	s0 =	sld [smem:$0x3FA8]  }
0x30: {  	s3 =	sld [smem:$0x3FAB]  }
0x31: {  	[smem:$0x3FB4] =	sst s10  }
0x32: {  	s10 =	sld [smem:$0x3FB2];
	_ =	sdelay $0x3  }
0x33: {  	p0 =	seq.s32 s10, $0x1;
	s10 =	sld [smem:$0x3FB4];
	_ =	sdelay $0x3  }
0x34: {  	[smem:$0x3FB4] =	sst s10  }
0x35: {  	s10 =	sld [smem:$0x3FB3];
	_ =	sdelay $0x3  }
0x36: {  	p1 =	seq.s32 s10, $0x1;
	s10 =	sld [smem:$0x3FB4];
	_ =	sdelay $0x3  }
0x37: {  	[smem:$0x3FB4] =	sst s10  }
0x38: {  	s10 =	sld [smem:$0x3FB5]  }
0x39: {  	_ = 	snop;
	(pc) =	sbr.ind lr, $3  }
0x3a: {  	_ = 	snop  }
0x3b: {  	_ = 	snop  }
0x3c: {  	p2 =	seq.s32 s10, $0x1;
	s10 =	sld [smem:$0x3FB4]  }
0x3d: {  	_ =	shalt  }
0x3e: {  	_ =	shalt  }
0x3f: {  	_ =	shalt  }
0x40: {  	_ =	shalt  }
0x41: {  	_ =	shalt  }
0x42: {  	_ =	shalt  }
0x43: {  	_ =	shalt  }
0x44: {  	_ =	shalt  }
0x45: {  	_ =	shalt  }
0x46: {  	_ =	shalt  }
0x47: {  	_ =	shalt  }
0x48: {  	_ =	shalt  }
0x49: {  	_ =	shalt  }
0x4a: {  	_ =	shalt  }
0x4b: {  	_ =	shalt  }
0x4c: {  	_ =	shalt  }
0x4d: {  	_ =	shalt  }
0x4e: {  	_ =	shalt  }
0x4f: {  	_ =	shalt  }
0x50: {  	_ =	shalt  }
0x51: {  	_ =	shalt  }
0x52: {  	_ =	shalt  }
0x53: {  	_ =	shalt  }
0x54: {  	_ =	shalt  }
0x55: {  	_ =	shalt  }
0x56: {  	_ =	shalt  }
0x57: {  	_ =	shalt  }
0x58: {  	_ =	shalt  }
0x59: {  	_ =	shalt  }
0x5a: {  	_ =	shalt  }
0x5b: {  	_ =	shalt  }
0x5c: {  	_ =	shalt  }
0x5d: {  	_ =	shalt  }
0x5e: {  	_ =	shalt  }
0x5f: {  	_ =	shalt  }
0x60: {  	_ =	shalt  }
0x61: {  	_ =	shalt  }
0x62: {  	_ =	shalt  }
0x63: {  	_ =	shalt  }
0x64: {  	_ =	shalt  }
0x65: {  	_ =	shalt  }
0x66: {  	_ =	shalt  }
0x67: {  	_ =	shalt  }
0x68: {  	_ =	shalt  }
0x69: {  	_ =	shalt  }
0x6a: {  	_ =	shalt  }
0x6b: {  	_ =	shalt  }
0x6c: {  	_ =	shalt  }
0x6d: {  	_ =	shalt  }
0x6e: {  	_ =	shalt  }
0x6f: {  	_ =	shalt  }
0x70: {  	_ =	shalt  }
0x71: {  	_ =	shalt  }
0x72: {  	_ =	shalt  }
0x73: {  	_ =	shalt  }
0x74: {  	_ =	shalt  }
0x75: {  	_ =	shalt  }
0x76: {  	_ =	shalt  }
0x77: {  	_ =	shalt  }
0x78: {  	_ =	shalt  }
0x79: {  	_ =	shalt  }
0x7a: {  	_ =	shalt  }
0x7b: {  	_ =	shalt  }
0x7c: {  	_ =	shalt  }
0x7d: {  	_ =	shalt  }
0x7e: {  	_ =	shalt  }
0x7f: {  	_ =	shalt  }
0x80: {  	_ =	shalt  }
0x81: {  	_ =	shalt  }
0x82: {  	_ =	shalt  }
0x83: {  	_ =	shalt  }
0x84: {  	_ =	shalt  }
0x85: {  	_ =	shalt  }
0x86: {  	_ =	shalt  }
0x87: {  	_ =	shalt  }
.Lfunc_end0:
.L_simem_size_0:
called_computation_lowered:
.L_overlay_start_0:
0x88: {  	s2 =	sld [smem:$0x3FD9]  }
0x89: {  	s3 =	sld [smem:$0x3FFE];
	_ =	sdelay $0x1  }
0x8a: {  	s1 =	srdreg.scid  }
0x8b: {  	s0 =	sand.u32 $0x1, s1  }
0x8c: {  	s17 =	sshll.u32 s0, $0xA;
	s2 =	sadd.s32 s3, s2  }
0x8d: {  	s2 =	sadd.s32 s2, s17  }
0x8e: {  	[smem:$0x3FC0] =	sst s2  }
0x8f: {  	_ = 	snop  }
0x90: {  	s2 =	sld [smem:$0x3FD0];
	(tm) =	ssettm $0x1  }
0x91: {  	s18 =	sld [smem:$0x3FFB];
	_ =	sdelay $0x3  }
0x92: {  	_ =	strace s18  }
0x93: {  	s3 =	sld [smem:$0x3FFC];
	_ =	sdelay $0x3  }
0x94: {  	_ =	strace s3  }
0x95: {  	s3 =	sld [smem:$0x3FFD];
	_ =	sdelay $0x3  }
0x96: {  	_ =	strace s3  }
0x97: {  	_ =	strace $0x8FFFFFFF  }
0x98: {  	s19 =	sld [smem:$0x3FDB];
	_ =	sdelay $0x1  }
0x99: {  	s4 =	simm.s32 $_scs_section_size  }
0x9a: {  	s5 =	simm.s32 $_size__tile_overlayer_lowered;
	s6 =	simm.s32 $_tile_overlayer_lowered  }
0x9b: {  	s22 =	simm.s32 $0x1BFF;
	s21 =	sshll.u32 s6, $0x1;
	s3 =	sadd.s32 s4, s19  }
0x9c: {  	s7 =	simm.s32 $0x0;
	s20 =	sshll.u32 s5, $0x1;
	s5 =	sadd.s32 s21, s3  }
0x9d: {  	[timem:s7], [sflag:s22] =	dma.local [hbm:s5], s20  }
0x9e: {  	_ =	swait.ge [sflag:s22], s20  }
0x9f: {  	s4 =	ssub.s32 $0x0, s20;
	[sflag:s22] =	ssyncset.done $0x0  }
0xa0: {  	[sflag:s22] =	ssyncadd.s32 s4;
	_ =	sdelay $0x1  }
0xa1: {  	s23 =	simm.s32 $0x1B8B  }
0xa2: {  	_ =	swait.ge [sflag:s23], $0x1  }
0xa3: {  	[sflag:s23] =	ssyncset.done $0x0  }
0xa4: {  	s25 =	simm.s32 $0x1B8E;
	s24 =	sld [smem:$0x3FFE];
	[sflag:s23] =	ssyncadd.s32 $0xFFFFFFFF  }
0xa5: {  	s26 =	simm.s32 $execute0_lowered;
	[smem:$0x3FD2] =	sst s25  }
0xa6: {  	s5 =	sshll.u32 s26, $0x1;
	_ =	strace $0x80000046;
	[dreg:$0x1] =	wrdreg $0xFFFFFFFF  }
0xa7: {  	s28 =	simm.s32 $_size_execute0_lowered;
	s3 =	sadd.s32 s3, s5;
	[dreg:$0x0] =	wrdreg $0x0  }
0xa8: {  	s5 =	sshll.u32 s28, $0x1;
	[dreg:$0x2] =	wrdreg s3  }
0xa9: {  	[dreg:$0x3] =	wrdreg s5  }
0xaa: {  	[dreg:$0x4] =	wrdreg $0xC0  }
0xab: {  	_ =	task [dreg:s7], $0x5FFFF  }
0xac: {  	[dreg:$0x1] =	wrdreg $0xFFFFFFFF  }
0xad: {  	[dreg:$0x0] =	wrdreg $0x60  }
0xae: {  	[dreg:$0x2] =	wrdreg s2  }
0xaf: {  	[dreg:$0x3] =	wrdreg s24  }
0xb0: {  	[dreg:$0x4] =	wrdreg $0x50800  }
0xb1: {  	[dreg:$0x5] =	wrdreg $0x52F80  }
0xb2: {  	[dreg:$0x6] =	wrdreg $0x9  }
0xb3: {  	_ =	task.clear_ibuf [dreg:s7], $0x7FFFF;
	_ =	strace $0x90000046  }
0xb4: {  	s29 =	simm.s32 $0x9;
	_ =	strace $0x80000048  }
0xb5: {  	_ =	swait.ge [sflag:s29], $0x1  }
0xb6: {  	[sflag:s29] =	ssyncadd.s32 $0xFFFFFFFF  }
0xb7: {  	_ =	strace $0x90000048  }
0xb8: {  	_ =	sfence  }
0xb9: {  	s30 =	sld [smem:$0x0];
	_ =	sdelay $0x2  }
0xba: {  	s31 =	sshll.u32 s1, $0xD;
	s1 =	sshrl.u32 s1, $0x2  }
0xbb: {  	s3 =	sand.u32 $0x4000, s31;
	s1 =	sadd.s32 s1, s30  }
0xbc: {  	s0 =	sor.u32 s3, s0;
	s1 =	sshll.u32 s1, $0x11  }
0xbd: {  	s0 =	sor.u32 s1, s0  }
0xbe: {  	s0 =	sadd.s32 $0x8F2B, s0  }
0xbf: {  	[sflag:s0] =	ssyncadd.remote.s32 $0x1  }
0xc0: {  	_ =	sfence.sel $0xFFFF  }
0xc1: {  	[dreg:$0x0] =	wrdreg $0xFFFFFFFF;
	(pc) =	sbr.abs _section_cstart, $3  }
0xc2: {  	[dreg:$0x1] =	wrdreg $0xFFFFFFFF  }
0xc3: {  	_ =	task.clear_ibuf [dreg:s7], $0x2FFFF;
	_ =	strace $0x9FFFFFFF  }
0xc4: {  	(tm) =	ssettm $0x7FFFFFFF  }
0xc5: {  	_ =	shalt  }
tec
execute0_lowered:
.L_overlay_start_1:
0x0: {  	(tag) =	ssettag $0x1  }
0x1: {  	s5 =	rddreg [dreg:$0x0]  }
0x2: {  	s6 =	rddreg [dreg:$0x1]  }
0x3: {  	s0 =	srdreg.scid;
	s1 =	rddreg [dreg:$0x2]  }
0x4: {  	s10 =	stileid.u32;
	s2 =	rddreg [dreg:$0x3];
	s3 =	simm.s32 $0x0  }
0x5: {  	s14 =	simm.s32 $0x80;
	s15 =	simm.s32 $0x5000;
	s16 =	simm.s32 $0x1  }
0x6: {  	s17 =	simm.s32 $0x0;
	s4 =	sand.u32 $0x1, s0;
	s0 =	rddreg [dreg:$0x4]  }
0x7: {  	[smem:$0x7FF] =	sst s3;
	p0 =	sne.s32 s10, $0x0;
	s7 =	sshll.u32 s4, $0x4  }
0x8: {  	_ =	strace $0x80000047;
	s11 =	ssub.s32 $0x2, s4;
	s8 =	sor.u32 s10, s7  }
0x9: {  	s4 =	sadd.s32 $0xC400, s6;
	s13 =	sshrl.u32 @!p0 s2, $0x3;
	s8 =	smul.u32 $0x500, s8  }
0xa: {  	s12 =	sadd.s32 s7, s6;
	s31 =	sshrl.u32 s11, $0x1;
	s10 =	simm.s32 $0x2  }
0xb: {  	s11 =	ssub.s32 s11, s31;
	s7 =	sadd.s32 $0xCA00, s12;
	s9 =	sadd.s32 s8, s6  }
0xc: {  	s5 =	sadd.s32 s5, s8;
	s8 =	sadd.s32 $0xD400, s12;
	s12 =	sshrl.u32 @!p0 s1, $0x3  }
0xd: {  	v0 =	vimm.f32 $1.000000000e+00;
	s6 =	sadd.s32 $0x2400, s9;
	s9 =	smax.u32 s11, $0x1;
	s11 =	simm.s32 $0x2800  }
.LBB2_1:
0xe: {  	[tilespmem:s3], [sflag:$0x2] =	stream.linear.gather [hbm4b:s5+s3], $0x2800, $0x38;
	[tilespmem:$0x5570] =	vst v63  }
0xf: {  	_ =	swait.ge [sflag:s10], $0x2800  }
0x10: {  	[sflag:s10] =	ssyncset.done $0x0  }
0x11: {  	[sflag:s10] =	ssyncadd.s32 $0xFFFFD800  }
0x12: {  	[tilespmem:s11], [sflag:$0x2] =	stream.linear.gather [hbm4b:s6+s3], $0x2800, $0x38;
	[tilespmem:$0x5570] =	vst v63  }
0x13: {  	_ =	swait.ge [sflag:s10], $0x2800  }
0x14: {  	[sflag:s10] =	ssyncset.done $0x0  }
0x15: {  	[sflag:s10] =	ssyncadd.s32 $0xFFFFD800  }
0x16: {  	[tilespmem:$0x5000] =	vst v0  }
0x17: {  	[tilespmem:$0x5010] =	vst v0  }
0x18: {  	[tilespmem:$0x5020] =	vst v0  }
0x19: {  	[tilespmem:$0x5030] =	vst v0  }
0x1a: {  	[tilespmem:$0x5040] =	vst v0  }
0x1b: {  	[tilespmem:$0x5050] =	vst v0  }
0x1c: {  	[tilespmem:$0x5060] =	vst v0  }
0x1d: {  	s18 =	simm.s32 @!p0 $0x1C02;
	s19 =	simm.s32 @!p0 $0x2;
	[tilespmem:$0x5070] =	vst v0  }
0x1e: {  	[spmem:s12], [sflag:s18] =	dma.local @!p0 [hbm:s4], $0x4F0  }
0x1f: {  	_ =	swait.ge @!p0 [sflag:s19], $0x4F0  }
0x20: {  	[sflag:s19] =	ssyncset.done @!p0 $0x0  }
0x21: {  	[sflag:s19] =	ssyncadd.s32 @!p0 $0xFFFFFB10  }
0x22: {  	[spmem:s13], [sflag:s18] =	dma.local @!p0 [hbm:s4], $0x4F0  }
0x23: {  	_ =	swait.ge @!p0 [sflag:s19], $0x4F0  }
0x24: {  	[sflag:s19] =	ssyncset.done @!p0 $0x0  }
0x25: {  	[sflag:s19] =	ssyncadd.s32 @!p0 $0xFFFFFB10  }
0x26: {  	s28 =	simm.s32 $0x0;
	s29 =	simm.s32 $0x2800;
	[bflag:$0x0] =	sbarrier.arrive $0xFFFF  }
0x27: {  	[spmem:s1] =	stream.indirect.scatter.add.f32 [tilespmem:s29], [sflag:$0x1], $0x1, s28, s14, $0xb8;
	[tilespmem:$0x5570] =	vst v63  }
0x28: {  	_ = 	snop  }
0x29: {  	[spmem:s2] =	stream.indirect.scatter.add.f32 [tilespmem:s15], [sflag:$0x1], $0x1, s28, s14, $0xb8;
	[tilespmem:$0x5570] =	vst v63  }
0x2a: {  	s30 =	simm.s32 $0x2880;
	s31 =	simm.s32 $0x80  }
0x2b: {  	[spmem:s1] =	stream.indirect.scatter.add.f32 [tilespmem:s30], [sflag:$0x1], $0x1, s31, s14, $0xb8;
	[tilespmem:$0x5570] =	vst v63  }
0x2c: {  	_ = 	snop  }
0x2d: {  	[spmem:s2] =	stream.indirect.scatter.add.f32 [tilespmem:s15], [sflag:$0x1], $0x1, s31, s14, $0xb8;
	[tilespmem:$0x5570] =	vst v63  }
0x2e: {  	s20 =	simm.s32 $0x100;
	s19 =	simm.s32 $0x2900  }
0x2f: {  	[spmem:s1] =	stream.indirect.scatter.add.f32 [tilespmem:s19], [sflag:$0x1], $0x1, s20, s14, $0xb8;
	[tilespmem:$0x5570] =	vst v63  }
0x30: {  	_ = 	snop  }
0x31: {  	[spmem:s2] =	stream.indirect.scatter.add.f32 [tilespmem:s15], [sflag:$0x1], $0x1, s20, s14, $0xb8;
	[tilespmem:$0x5570] =	vst v63  }
0x32: {  	s21 =	simm.s32 $0x2980;
	s22 =	simm.s32 $0x180  }
0x33: {  	[spmem:s1] =	stream.indirect.scatter.add.f32 [tilespmem:s21], [sflag:$0x1], $0x1, s22, s14, $0xb8;
	[tilespmem:$0x5570] =	vst v63  }
0x34: {  	_ = 	snop  }
0x35: {  	[spmem:s2] =	stream.indirect.scatter.add.f32 [tilespmem:s15], [sflag:$0x1], $0x1, s22, s14, $0xb8;
	[tilespmem:$0x5570] =	vst v63  }
0x36: {  	s23 =	simm.s32 $0x2A00;
	s24 =	simm.s32 $0x200  }
0x37: {  	[spmem:s1] =	stream.indirect.scatter.add.f32 [tilespmem:s23], [sflag:$0x1], $0x1, s24, s14, $0xb8;
	[tilespmem:$0x5570] =	vst v63  }
0x38: {  	_ = 	snop  }
0x39: {  	[spmem:s2] =	stream.indirect.scatter.add.f32 [tilespmem:s15], [sflag:$0x1], $0x1, s24, s14, $0xb8;
	[tilespmem:$0x5570] =	vst v63  }
0x3a: {  	s25 =	simm.s32 $0x2A80;
	s26 =	simm.s32 $0x280  }
0x3b: {  	[spmem:s1] =	stream.indirect.scatter.add.f32 [tilespmem:s25], [sflag:$0x1], $0x1, s26, s14, $0xb8;
	[tilespmem:$0x5570] =	vst v63  }
0x3c: {  	_ = 	snop  }
0x3d: {  	[spmem:s2] =	stream.indirect.scatter.add.f32 [tilespmem:s15], [sflag:$0x1], $0x1, s26, s14, $0xb8;
	[tilespmem:$0x5570] =	vst v63  }
0x3e: {  	s29 =	simm.s32 $0x300;
	s28 =	simm.s32 $0x2B00  }
0x3f: {  	[spmem:s1] =	stream.indirect.scatter.add.f32 [tilespmem:s28], [sflag:$0x1], $0x1, s29, s14, $0xb8;
	[tilespmem:$0x5570] =	vst v63  }
0x40: {  	_ = 	snop  }
0x41: {  	[spmem:s2] =	stream.indirect.scatter.add.f32 [tilespmem:s15], [sflag:$0x1], $0x1, s29, s14, $0xb8;
	[tilespmem:$0x5570] =	vst v63  }
0x42: {  	s30 =	simm.s32 $0x2B80;
	s31 =	simm.s32 $0x380  }
0x43: {  	[spmem:s1] =	stream.indirect.scatter.add.f32 [tilespmem:s30], [sflag:$0x1], $0x1, s31, s14, $0xb8;
	[tilespmem:$0x5570] =	vst v63  }
0x44: {  	_ = 	snop  }
0x45: {  	[spmem:s2] =	stream.indirect.scatter.add.f32 [tilespmem:s15], [sflag:$0x1], $0x1, s31, s14, $0xb8;
	[tilespmem:$0x5570] =	vst v63  }
0x46: {  	_ =	swait.ge [sflag:s16], $0x80  }
0x47: {  	[sflag:s16] =	ssyncset.done $0x0  }
0x48: {  	[sflag:s16] =	ssyncadd.s32 $0xFFFFFF80  }
0x49: {  	_ =	swait.ge [sflag:s16], $0x80  }
0x4a: {  	[sflag:s16] =	ssyncset.done $0x0  }
0x4b: {  	[sflag:s16] =	ssyncadd.s32 $0xFFFFFF80  }
0x4c: {  	_ =	swait.ge [sflag:s16], $0x80  }
0x4d: {  	[sflag:s16] =	ssyncset.done $0x0  }
0x4e: {  	[sflag:s16] =	ssyncadd.s32 $0xFFFFFF80  }
0x4f: {  	_ =	swait.ge [sflag:s16], $0x80  }
0x50: {  	[sflag:s16] =	ssyncset.done $0x0  }
0x51: {  	[sflag:s16] =	ssyncadd.s32 $0xFFFFFF80  }
0x52: {  	_ =	swait.ge [sflag:s16], $0x80  }
0x53: {  	[sflag:s16] =	ssyncset.done $0x0  }
0x54: {  	[sflag:s16] =	ssyncadd.s32 $0xFFFFFF80  }
0x55: {  	_ =	swait.ge [sflag:s16], $0x80  }
0x56: {  	[sflag:s16] =	ssyncset.done $0x0  }
0x57: {  	[sflag:s16] =	ssyncadd.s32 $0xFFFFFF80  }
0x58: {  	_ =	swait.ge [sflag:s16], $0x80  }
0x59: {  	[sflag:s16] =	ssyncset.done $0x0  }
0x5a: {  	[sflag:s16] =	ssyncadd.s32 $0xFFFFFF80  }
0x5b: {  	_ =	swait.ge [sflag:s16], $0x80  }
0x5c: {  	[sflag:s16] =	ssyncset.done $0x0  }
0x5d: {  	[sflag:s16] =	ssyncadd.s32 $0xFFFFFF80  }
0x5e: {  	_ =	swait.ge [sflag:s16], $0x80  }
0x5f: {  	[sflag:s16] =	ssyncset.done $0x0  }
0x60: {  	[sflag:s16] =	ssyncadd.s32 $0xFFFFFF80  }
0x61: {  	_ =	swait.ge [sflag:s16], $0x80  }
0x62: {  	[sflag:s16] =	ssyncset.done $0x0  }
0x63: {  	[sflag:s16] =	ssyncadd.s32 $0xFFFFFF80  }
0x64: {  	_ =	swait.ge [sflag:s16], $0x80  }
0x65: {  	[sflag:s16] =	ssyncset.done $0x0  }
0x66: {  	[sflag:s16] =	ssyncadd.s32 $0xFFFFFF80  }
0x67: {  	_ =	swait.ge [sflag:s16], $0x80  }
0x68: {  	[sflag:s16] =	ssyncset.done $0x0  }
0x69: {  	[sflag:s16] =	ssyncadd.s32 $0xFFFFFF80  }
0x6a: {  	_ =	swait.ge [sflag:s16], $0x80  }
0x6b: {  	[sflag:s16] =	ssyncset.done $0x0  }
0x6c: {  	[sflag:s16] =	ssyncadd.s32 $0xFFFFFF80  }
0x6d: {  	_ =	swait.ge [sflag:s16], $0x80  }
0x6e: {  	[sflag:s16] =	ssyncset.done $0x0  }
0x6f: {  	[sflag:s16] =	ssyncadd.s32 $0xFFFFFF80  }
0x70: {  	_ =	swait.ge [sflag:s16], $0x80  }
0x71: {  	[sflag:s16] =	ssyncset.done $0x0  }
0x72: {  	[sflag:s16] =	ssyncadd.s32 $0xFFFFFF80  }
0x73: {  	_ =	swait.ge [sflag:s16], $0x80  }
0x74: {  	s20 =	simm.s32 $0x400;
	s21 =	simm.s32 $0x2000;
	[sflag:s16] =	ssyncset.done $0x0  }
.LBB2_2:
0x75: {  	s22 =	sadd.s32 $0x2800, s20  }
0x76: {  	[sflag:s16] =	ssyncadd.s32 $0xFFFFFF80;
	s19 =	smov.u32 s21;
	s18 =	sadd.s32 $0x1000, s21  }
0x77: {  	[spmem:s1] =	stream.indirect.scatter.add.f32 [tilespmem:s22], [sflag:$0x1], $0x1, s20, s14, $0xb8;
	[tilespmem:$0x5570] =	vst v63  }
0x78: {  	p1 =	sne.s32 s21, $0x9000  }
0x79: {  	[spmem:s2] =	stream.indirect.scatter.add.f32 [tilespmem:s15], [sflag:$0x1], $0x1, s20, s14, $0xb8;
	[tilespmem:$0x5570] =	vst v63  }
0x7a: {  	s21 =	sadd.s32 $0x2880, s20;
	s22 =	sadd.s32 $0x80, s20  }
0x7b: {  	[spmem:s1] =	stream.indirect.scatter.add.f32 [tilespmem:s21], [sflag:$0x1], $0x1, s22, s14, $0xb8;
	[tilespmem:$0x5570] =	vst v63  }
0x7c: {  	_ = 	snop  }
0x7d: {  	[spmem:s2] =	stream.indirect.scatter.add.f32 [tilespmem:s15], [sflag:$0x1], $0x1, s22, s14, $0xb8;
	[tilespmem:$0x5570] =	vst v63  }
0x7e: {  	s21 =	sadd.s32 $0x2900, s20;
	s22 =	sadd.s32 $0x100, s20  }
0x7f: {  	[spmem:s1] =	stream.indirect.scatter.add.f32 [tilespmem:s21], [sflag:$0x1], $0x1, s22, s14, $0xb8;
	[tilespmem:$0x5570] =	vst v63  }
0x80: {  	_ = 	snop  }
0x81: {  	[spmem:s2] =	stream.indirect.scatter.add.f32 [tilespmem:s15], [sflag:$0x1], $0x1, s22, s14, $0xb8;
	[tilespmem:$0x5570] =	vst v63  }
0x82: {  	s21 =	sadd.s32 $0x2980, s20;
	s22 =	sadd.s32 $0x180, s20  }
0x83: {  	[spmem:s1] =	stream.indirect.scatter.add.f32 [tilespmem:s21], [sflag:$0x1], $0x1, s22, s14, $0xb8;
	[tilespmem:$0x5570] =	vst v63  }
0x84: {  	_ = 	snop  }
0x85: {  	[spmem:s2] =	stream.indirect.scatter.add.f32 [tilespmem:s15], [sflag:$0x1], $0x1, s22, s14, $0xb8;
	[tilespmem:$0x5570] =	vst v63  }
0x86: {  	s21 =	sadd.s32 $0x2A00, s20;
	s22 =	sadd.s32 $0x200, s20  }
0x87: {  	[spmem:s1] =	stream.indirect.scatter.add.f32 [tilespmem:s21], [sflag:$0x1], $0x1, s22, s14, $0xb8;
	[tilespmem:$0x5570] =	vst v63  }
0x88: {  	_ = 	snop  }
0x89: {  	[spmem:s2] =	stream.indirect.scatter.add.f32 [tilespmem:s15], [sflag:$0x1], $0x1, s22, s14, $0xb8;
	[tilespmem:$0x5570] =	vst v63  }
0x8a: {  	s21 =	sadd.s32 $0x2A80, s20;
	s22 =	sadd.s32 $0x280, s20  }
0x8b: {  	[spmem:s1] =	stream.indirect.scatter.add.f32 [tilespmem:s21], [sflag:$0x1], $0x1, s22, s14, $0xb8;
	[tilespmem:$0x5570] =	vst v63  }
0x8c: {  	_ = 	snop  }
0x8d: {  	[spmem:s2] =	stream.indirect.scatter.add.f32 [tilespmem:s15], [sflag:$0x1], $0x1, s22, s14, $0xb8;
	[tilespmem:$0x5570] =	vst v63  }
0x8e: {  	s21 =	sadd.s32 $0x2B00, s20;
	s22 =	sadd.s32 $0x300, s20  }
0x8f: {  	[spmem:s1] =	stream.indirect.scatter.add.f32 [tilespmem:s21], [sflag:$0x1], $0x1, s22, s14, $0xb8;
	[tilespmem:$0x5570] =	vst v63  }
0x90: {  	_ = 	snop  }
0x91: {  	[spmem:s2] =	stream.indirect.scatter.add.f32 [tilespmem:s15], [sflag:$0x1], $0x1, s22, s14, $0xb8;
	[tilespmem:$0x5570] =	vst v63  }
0x92: {  	s21 =	sadd.s32 $0x2B80, s20;
	s20 =	sadd.s32 $0x380, s20  }
0x93: {  	[spmem:s1] =	stream.indirect.scatter.add.f32 [tilespmem:s21], [sflag:$0x1], $0x1, s20, s14, $0xb8;
	[tilespmem:$0x5570] =	vst v63  }
0x94: {  	_ = 	snop  }
0x95: {  	[spmem:s2] =	stream.indirect.scatter.add.f32 [tilespmem:s15], [sflag:$0x1], $0x1, s20, s14, $0xb8;
	[tilespmem:$0x5570] =	vst v63  }
0x96: {  	_ =	swait.ge [sflag:s16], $0x80  }
0x97: {  	[sflag:s16] =	ssyncset.done $0x0  }
0x98: {  	[sflag:s16] =	ssyncadd.s32 $0xFFFFFF80  }
0x99: {  	_ =	swait.ge [sflag:s16], $0x80  }
0x9a: {  	[sflag:s16] =	ssyncset.done $0x0  }
0x9b: {  	[sflag:s16] =	ssyncadd.s32 $0xFFFFFF80  }
0x9c: {  	_ =	swait.ge [sflag:s16], $0x80  }
0x9d: {  	[sflag:s16] =	ssyncset.done $0x0  }
0x9e: {  	[sflag:s16] =	ssyncadd.s32 $0xFFFFFF80  }
0x9f: {  	_ =	swait.ge [sflag:s16], $0x80  }
0xa0: {  	[sflag:s16] =	ssyncset.done $0x0  }
0xa1: {  	[sflag:s16] =	ssyncadd.s32 $0xFFFFFF80  }
0xa2: {  	_ =	swait.ge [sflag:s16], $0x80  }
0xa3: {  	[sflag:s16] =	ssyncset.done $0x0  }
0xa4: {  	[sflag:s16] =	ssyncadd.s32 $0xFFFFFF80  }
0xa5: {  	_ =	swait.ge [sflag:s16], $0x80  }
0xa6: {  	[sflag:s16] =	ssyncset.done $0x0  }
0xa7: {  	[sflag:s16] =	ssyncadd.s32 $0xFFFFFF80  }
0xa8: {  	_ =	swait.ge [sflag:s16], $0x80  }
0xa9: {  	[sflag:s16] =	ssyncset.done $0x0  }
0xaa: {  	[sflag:s16] =	ssyncadd.s32 $0xFFFFFF80  }
0xab: {  	_ =	swait.ge [sflag:s16], $0x80  }
0xac: {  	[sflag:s16] =	ssyncset.done $0x0  }
0xad: {  	[sflag:s16] =	ssyncadd.s32 $0xFFFFFF80  }
0xae: {  	_ =	swait.ge [sflag:s16], $0x80  }
0xaf: {  	[sflag:s16] =	ssyncset.done $0x0  }
0xb0: {  	[sflag:s16] =	ssyncadd.s32 $0xFFFFFF80  }
0xb1: {  	_ =	swait.ge [sflag:s16], $0x80  }
0xb2: {  	[sflag:s16] =	ssyncset.done $0x0  }
0xb3: {  	[sflag:s16] =	ssyncadd.s32 $0xFFFFFF80  }
0xb4: {  	_ =	swait.ge [sflag:s16], $0x80  }
0xb5: {  	[sflag:s16] =	ssyncset.done $0x0  }
0xb6: {  	[sflag:s16] =	ssyncadd.s32 $0xFFFFFF80  }
0xb7: {  	_ =	swait.ge [sflag:s16], $0x80  }
0xb8: {  	[sflag:s16] =	ssyncset.done $0x0  }
0xb9: {  	[sflag:s16] =	ssyncadd.s32 $0xFFFFFF80  }
0xba: {  	_ =	swait.ge [sflag:s16], $0x80  }
0xbb: {  	[sflag:s16] =	ssyncset.done $0x0  }
0xbc: {  	[sflag:s16] =	ssyncadd.s32 $0xFFFFFF80  }
0xbd: {  	_ =	swait.ge [sflag:s16], $0x80  }
0xbe: {  	[sflag:s16] =	ssyncset.done $0x0  }
0xbf: {  	[sflag:s16] =	ssyncadd.s32 $0xFFFFFF80  }
.Ltmp0:
0xc0: {  	_ =	swait.ge [sflag:s16], $0x80;
	(pc) =	sbr.rel @p1 .LBB2_2-.Ltmp0, $4  }
0xc1: {  	[sflag:s16] =	ssyncset.done $0x0  }
0xc2: {  	[sflag:s16] =	ssyncadd.s32 $0xFFFFFF80  }
0xc3: {  	_ =	swait.ge [sflag:s16], $0x80  }
0xc4: {  	s21 =	smov.u32 s18;
	s20 =	sshra.s32 s19, $0x2;
	[sflag:s16] =	ssyncset.done $0x0  }
0xc5: {  	s18 =	sadd.s32 $0x2800, s20;
	[sflag:s16] =	ssyncadd.s32 $0xFFFFFF80  }
0xc6: {  	[spmem:s1] =	stream.indirect.scatter.add.f32 [tilespmem:s18], [sflag:$0x1], $0x1, s20, s14, $0xb8;
	[tilespmem:$0x5570] =	vst v63  }
0xc7: {  	_ = 	snop  }
0xc8: {  	[spmem:s2] =	stream.indirect.scatter.add.f32 [tilespmem:s15], [sflag:$0x1], $0x1, s20, s14, $0xb8;
	[tilespmem:$0x5570] =	vst v63  }
0xc9: {  	s29 =	sadd.s32 $0x2880, s20;
	s19 =	sadd.s32 $0x80, s20  }
0xca: {  	[spmem:s1] =	stream.indirect.scatter.add.f32 [tilespmem:s29], [sflag:$0x1], $0x1, s19, s14, $0xb8;
	[tilespmem:$0x5570] =	vst v63  }
0xcb: {  	_ = 	snop  }
0xcc: {  	[spmem:s2] =	stream.indirect.scatter.add.f32 [tilespmem:s15], [sflag:$0x1], $0x1, s19, s14, $0xb8;
	[tilespmem:$0x5570] =	vst v63  }
0xcd: {  	s30 =	sadd.s32 $0x2900, s20;
	s31 =	sadd.s32 $0x100, s20  }
0xce: {  	[spmem:s1] =	stream.indirect.scatter.add.f32 [tilespmem:s30], [sflag:$0x1], $0x1, s31, s14, $0xb8;
	[tilespmem:$0x5570] =	vst v63  }
0xcf: {  	_ = 	snop  }
0xd0: {  	[spmem:s2] =	stream.indirect.scatter.add.f32 [tilespmem:s15], [sflag:$0x1], $0x1, s31, s14, $0xb8;
	[tilespmem:$0x5570] =	vst v63  }
0xd1: {  	s21 =	sadd.s32 $0x2980, s20;
	s22 =	sadd.s32 $0x180, s20  }
0xd2: {  	[spmem:s1] =	stream.indirect.scatter.add.f32 [tilespmem:s21], [sflag:$0x1], $0x1, s22, s14, $0xb8;
	[tilespmem:$0x5570] =	vst v63  }
0xd3: {  	_ = 	snop  }
0xd4: {  	[spmem:s2] =	stream.indirect.scatter.add.f32 [tilespmem:s15], [sflag:$0x1], $0x1, s22, s14, $0xb8;
	[tilespmem:$0x5570] =	vst v63  }
0xd5: {  	s23 =	sadd.s32 $0x2A00, s20;
	s24 =	sadd.s32 $0x200, s20  }
0xd6: {  	[spmem:s1] =	stream.indirect.scatter.add.f32 [tilespmem:s23], [sflag:$0x1], $0x1, s24, s14, $0xb8;
	[tilespmem:$0x5570] =	vst v63  }
0xd7: {  	_ = 	snop  }
0xd8: {  	[spmem:s2] =	stream.indirect.scatter.add.f32 [tilespmem:s15], [sflag:$0x1], $0x1, s24, s14, $0xb8;
	[tilespmem:$0x5570] =	vst v63  }
0xd9: {  	s25 =	sadd.s32 $0x2A80, s20;
	s26 =	sadd.s32 $0x280, s20  }
0xda: {  	[spmem:s1] =	stream.indirect.scatter.add.f32 [tilespmem:s25], [sflag:$0x1], $0x1, s26, s14, $0xb8;
	[tilespmem:$0x5570] =	vst v63  }
0xdb: {  	_ = 	snop  }
0xdc: {  	[spmem:s2] =	stream.indirect.scatter.add.f32 [tilespmem:s15], [sflag:$0x1], $0x1, s26, s14, $0xb8;
	[tilespmem:$0x5570] =	vst v63  }
0xdd: {  	s28 =	sadd.s32 $0x2B00, s20;
	s29 =	sadd.s32 $0x300, s20  }
0xde: {  	[spmem:s1] =	stream.indirect.scatter.add.f32 [tilespmem:s28], [sflag:$0x1], $0x1, s29, s14, $0xb8;
	[tilespmem:$0x5570] =	vst v63  }
0xdf: {  	_ = 	snop  }
0xe0: {  	[spmem:s2] =	stream.indirect.scatter.add.f32 [tilespmem:s15], [sflag:$0x1], $0x1, s29, s14, $0xb8;
	[tilespmem:$0x5570] =	vst v63  }
0xe1: {  	s30 =	sadd.s32 $0x2B80, s20;
	s31 =	sadd.s32 $0x380, s20  }
0xe2: {  	[spmem:s1] =	stream.indirect.scatter.add.f32 [tilespmem:s30], [sflag:$0x1], $0x1, s31, s14, $0xb8;
	[tilespmem:$0x5570] =	vst v63  }
0xe3: {  	_ = 	snop  }
0xe4: {  	[spmem:s2] =	stream.indirect.scatter.add.f32 [tilespmem:s15], [sflag:$0x1], $0x1, s31, s14, $0xb8;
	[tilespmem:$0x5570] =	vst v63  }
0xe5: {  	_ =	swait.ge [sflag:s16], $0x80  }
0xe6: {  	[sflag:s16] =	ssyncset.done $0x0  }
0xe7: {  	[sflag:s16] =	ssyncadd.s32 $0xFFFFFF80  }
0xe8: {  	_ =	swait.ge [sflag:s16], $0x80  }
0xe9: {  	[sflag:s16] =	ssyncset.done $0x0  }
0xea: {  	[sflag:s16] =	ssyncadd.s32 $0xFFFFFF80  }
0xeb: {  	_ =	swait.ge [sflag:s16], $0x80  }
0xec: {  	[sflag:s16] =	ssyncset.done $0x0  }
0xed: {  	[sflag:s16] =	ssyncadd.s32 $0xFFFFFF80  }
0xee: {  	_ =	swait.ge [sflag:s16], $0x80  }
0xef: {  	[sflag:s16] =	ssyncset.done $0x0  }
0xf0: {  	[sflag:s16] =	ssyncadd.s32 $0xFFFFFF80  }
0xf1: {  	_ =	swait.ge [sflag:s16], $0x80  }
0xf2: {  	[sflag:s16] =	ssyncset.done $0x0  }
0xf3: {  	[sflag:s16] =	ssyncadd.s32 $0xFFFFFF80  }
0xf4: {  	_ =	swait.ge [sflag:s16], $0x80  }
0xf5: {  	[sflag:s16] =	ssyncset.done $0x0  }
0xf6: {  	[sflag:s16] =	ssyncadd.s32 $0xFFFFFF80  }
0xf7: {  	_ =	swait.ge [sflag:s16], $0x80  }
0xf8: {  	[sflag:s16] =	ssyncset.done $0x0  }
0xf9: {  	[sflag:s16] =	ssyncadd.s32 $0xFFFFFF80  }
0xfa: {  	_ =	swait.ge [sflag:s16], $0x80  }
0xfb: {  	[sflag:s16] =	ssyncset.done $0x0  }
0xfc: {  	[sflag:s16] =	ssyncadd.s32 $0xFFFFFF80  }
0xfd: {  	_ =	swait.ge [sflag:s16], $0x80  }
0xfe: {  	[sflag:s16] =	ssyncset.done $0x0  }
0xff: {  	[sflag:s16] =	ssyncadd.s32 $0xFFFFFF80  }
0x100: {  	_ =	swait.ge [sflag:s16], $0x80  }
0x101: {  	[sflag:s16] =	ssyncset.done $0x0  }
0x102: {  	[sflag:s16] =	ssyncadd.s32 $0xFFFFFF80  }
0x103: {  	_ =	swait.ge [sflag:s16], $0x80  }
0x104: {  	[sflag:s16] =	ssyncset.done $0x0  }
0x105: {  	[sflag:s16] =	ssyncadd.s32 $0xFFFFFF80  }
0x106: {  	_ =	swait.ge [sflag:s16], $0x80  }
0x107: {  	[sflag:s16] =	ssyncset.done $0x0  }
0x108: {  	[sflag:s16] =	ssyncadd.s32 $0xFFFFFF80  }
0x109: {  	_ =	swait.ge [sflag:s16], $0x80  }
0x10a: {  	[sflag:s16] =	ssyncset.done $0x0  }
0x10b: {  	[sflag:s16] =	ssyncadd.s32 $0xFFFFFF80  }
0x10c: {  	_ =	swait.ge [sflag:s16], $0x80  }
0x10d: {  	[sflag:s16] =	ssyncset.done $0x0  }
0x10e: {  	[sflag:s16] =	ssyncadd.s32 $0xFFFFFF80  }
0x10f: {  	_ =	swait.ge [sflag:s16], $0x80  }
0x110: {  	[sflag:s16] =	ssyncset.done $0x0  }
0x111: {  	[sflag:s16] =	ssyncadd.s32 $0xFFFFFF80  }
0x112: {  	_ =	swait.ge [sflag:s16], $0x80  }
0x113: {  	s18 =	simm.s32 @!p0 $0x1;
	[sflag:s16] =	ssyncset.done $0x0  }
0x114: {  	s19 =	simm.s32 @!p0 $0x20;
	s20 =	simm.s32 @!p0 $0x10;
	[sflag:s16] =	ssyncadd.s32 $0xFFFFFF80  }
0x115: {  	s21 =	simm.s32 @!p0 $0x1C02;
	s22 =	simm.s32 @!p0 $0x2;
	[bflag:$0x0] =	sbarrier.arrive $0xFFFF  }
0x116: {  	[hbm:s7@s19], [sflag:s21] =	dma.strided @!p0 [spmem:s12@s20], $0x4F0, s18, $0x10   }
0x117: {  	s17 =	sadd.s32 $0x1, s17;
	_ =	swait.ge @!p0 [sflag:s22], $0x4F0  }
0x118: {  	p1 =	sne.s32 s17, s9;
	[sflag:s22] =	ssyncset.done @!p0 $0x0  }
.Ltmp1:
0x119: {  	[sflag:s22] =	ssyncadd.s32 @!p0 $0xFFFFFB10;
	(pc) =	sbr.rel @p1 .LBB2_1-.Ltmp1, $4  }
0x11a: {  	[hbm:s8@s19], [sflag:s21] =	dma.strided @!p0 [spmem:s13@s20], $0x4F0, s18, $0x10   }
0x11b: {  	_ =	swait.ge @!p0 [sflag:s22], $0x4F0  }
0x11c: {  	[sflag:s22] =	ssyncset.done @!p0 $0x0  }
0x11d: {  	[sflag:s22] =	ssyncadd.s32 @!p0 $0xFFFFFB10  }
0x11e: {  	_ =	sfence.sel $0x180000  }
0x11f: {  	[bflag:$0x0] =	sbarrier.arrive $0xFFFF  }
0x120: {  	_ =	strace $0x90000047  }
0x121: {  	s0 =	sadd.s32 @!p0 $0x100000, s0;
	[bflag:$0x2] =	sbarrier.arrive $0xFFFF  }
0x122: {  	[sflag:s0] =	ssyncadd.tile.s32 @!p0 $0x1;
	_ =	shalt  }
.Lfunc_end2:
_tile_overlayer_lowered:
.L_overlay_start_2:
0x123: {  	(tag) =	ssettag $0x2  }
0x124: {  	s0 =	rddreg [dreg:$0x0];
	s2 =	stileid.u32  }
0x125: {  	s1 =	rddreg [dreg:$0x1];
	p0 =	sne.s32 s2, $0x0  }
0x126: {  	s3 =	rddreg [dreg:$0x2];
	[bflag:$0x3] =	sbarrier.arrive $0xFFFF;
	s2 =	simm.s32 @!p0 $0x1C02  }
0x127: {  	[timem:s3], [sflag:s2] =	dma.local @!p0 [hbm:s0], s1  }
0x128: {  	s0 =	simm.s32 @!p0 $0x2  }
0x129: {  	_ =	swait.ge @!p0 [sflag:s0], s1  }
0x12a: {  	s1 =	ssub.s32 @!p0 $0x0, s1;
	[sflag:s0] =	ssyncset.done @!p0 $0x0  }
0x12b: {  	[sflag:s0] =	ssyncadd.s32 @!p0 s1  }
0x12c: {  	[bflag:$0x3] =	sbarrier.arrive $0xFFFF  }
0x12d: {  	_ =	shalt  }

</sc_bundles>
